<compile_context>
chip_gen: v7x
topology: tpu7x:2x2x1
jax: 0.10.2.dev20260603
libtpu: 0.0.44.dev20260713+nightly
codegen_flags: <defaults>
</compile_context>

<pallas_src>
import functools

import jax
import jax.numpy as jnp
from jax import lax
from jax.experimental import pallas as pl
from jax.experimental.pallas import tpu as pltpu
from jax.experimental.pallas import tpu_sc as plsc

E = 8
H = 1024
HI = H // 2
F = 512
T = 2048
A = 2 * T
TM = 512
GMAX = A // TM + E
P = GMAX * TM
CH = 512
NW = 32
TPW = T // NW
YSH = 1032
RP2 = P // 16
CC = 64

_SC_PARAMS = pltpu.CompilerParams(needs_layout_passes=False)


def _gate_kernel(x_ref, gw_ref, slot_ref, w_ref, meta_ref, xbi_ref):
    x = x_ref[...]
    gw = gw_ref[...]
    logits = lax.dot_general(
        x, gw, (((1,), (1,)), ((), ())), preferred_element_type=jnp.float32)
    m = jnp.max(logits, axis=1, keepdims=True)
    p = jnp.exp(logits - m)
    p = p / jnp.sum(p, axis=1, keepdims=True)

    lane = lax.broadcasted_iota(jnp.int32, p.shape, 1)
    m1 = jnp.max(p, axis=1, keepdims=True)
    i1 = jnp.min(jnp.where(p >= m1, lane, E), axis=1, keepdims=True)
    p2 = jnp.where(lane == i1, -jnp.inf, p)
    m2 = jnp.max(p2, axis=1, keepdims=True)
    i2 = jnp.min(jnp.where(p2 >= m2, lane, E), axis=1, keepdims=True)
    s = m1 + m2 + 1e-20
    w1, w2 = m1 / s, m2 / s

    o1 = (lane == i1).astype(jnp.float32)
    o2 = (lane == i2).astype(jnp.float32)
    onehot = jnp.concatenate([o1, o2], axis=0)

    r = lax.broadcasted_iota(jnp.int32, (CH, CH), 0)
    c = lax.broadcasted_iota(jnp.int32, (CH, CH), 1)
    lt = (c < r).astype(jnp.bfloat16)
    carry = jnp.zeros((1, E), jnp.float32)
    ranks = []
    for i in range(A // CH):
        blk = onehot[i * CH:(i + 1) * CH, :]
        within = lax.dot_general(
            lt, blk.astype(jnp.bfloat16), (((1,), (0,)), ((), ())),
            preferred_element_type=jnp.float32)
        ranks.append(within + carry)
        carry = carry + jnp.sum(blk, axis=0, keepdims=True)
    ranks = jnp.concatenate(ranks, axis=0)
    cnt = carry

    pt = jnp.floor((cnt + (TM - 1)) / TM)
    er = lax.broadcasted_iota(jnp.int32, (E, E), 0)
    ec = lax.broadcasted_iota(jnp.int32, (E, E), 1)
    upper = (er < ec).astype(jnp.float32)
    ts_row = lax.dot_general(
        pt, upper, (((1,), (0,)), ((), ())), preferred_element_type=jnp.float32)
    po_row = ts_row * TM

    rank_a = jnp.sum(ranks * onehot, axis=1, keepdims=True)
    off_a = jnp.sum(po_row * onehot, axis=1, keepdims=True)
    slot_ref[...] = (rank_a + off_a).astype(jnp.int32)
    w_ref[...] = jnp.concatenate([w1, w2], axis=0)

    ptb = jnp.broadcast_to(pt, (E, E))
    ca_col = jnp.sum(jnp.where(ec <= er, ptb, 0.0), axis=1, keepdims=True)
    g_lane = lax.broadcasted_iota(jnp.int32, (E, 128), 1)
    te = jnp.sum((g_lane >= ca_col.astype(jnp.int32)).astype(jnp.float32),
                 axis=0, keepdims=True)
    te = jnp.minimum(te, float(E - 1))
    g_used = jnp.sum(pt)
    lane128 = lax.broadcasted_iota(jnp.int32, (1, 128), 1)
    meta_ref[...] = jnp.where(lane128 == 127, g_used, te).astype(jnp.int32)

    xb = x.astype(jnp.bfloat16).reshape(2 * T, HI)
    xbi_ref[...] = pltpu.bitcast(xb, jnp.int32)


def _dispatch_kernel(x_hbm, slot_hbm, w_hbm, xs_hbm, ts_hbm, ws_hbm,
                     slot_v, w_v, ts_v, ws_v, idx_v, buf, sem, semi, semb):
    cid = lax.axis_index("c")
    sid = lax.axis_index("s")
    wid = sid * 2 + cid
    t0 = wid * TPW
    pltpu.async_copy(slot_hbm.at[pl.ds(t0, TPW)], idx_v.at[0], semi)
    pltpu.async_copy(slot_hbm.at[pl.ds(T + t0, TPW)], idx_v.at[1], semi)
    cp = pltpu.async_copy(x_hbm.at[pl.ds(t0, TPW)], buf, semb)
    pltpu.make_async_copy(slot_hbm.at[pl.ds(0, TPW)], idx_v.at[0], semi).wait()
    pltpu.make_async_copy(slot_hbm.at[pl.ds(0, TPW)], idx_v.at[1], semi).wait()
    cp.wait()
    pltpu.sync_copy(buf, xs_hbm.at[idx_v.at[0]])
    pltpu.sync_copy(buf, xs_hbm.at[idx_v.at[1]])

    @pl.when(jnp.logical_and(cid == 0, sid == 0))
    def _():
        pltpu.async_copy(slot_hbm, slot_v, sem).wait()

        @pl.loop(0, P, step=16)
        def _(i):
            ts_v[pl.ds(i, 16)] = (lax.iota(jnp.int32, 16) + i) % 2048 + A

        @pl.loop(0, A, step=16)
        def _(a):
            sl = slot_v[pl.ds(a, 16)]
            av = lax.iota(jnp.int32, 16) + a
            plsc.store_scatter(ts_v, [sl], av)

        pltpu.async_copy(ts_v, ts_hbm, sem).wait()

    @pl.when(jnp.logical_and(cid == 1, sid == 0))
    def _():
        pltpu.async_copy(slot_hbm, slot_v, sem).wait()
        pltpu.async_copy(w_hbm, w_v, sem).wait()

        @pl.loop(0, P, step=16)
        def _(i):
            ws_v[pl.ds(i, 16)] = jnp.zeros((16,), jnp.float32)

        @pl.loop(0, A, step=16)
        def _(a):
            sl = slot_v[pl.ds(a, 16)]
            wv = w_v[pl.ds(a, 16)]
            plsc.store_scatter(ws_v, [sl], wv)

        pltpu.async_copy(ws_v, ws_hbm, sem).wait()


def _moe_kernel(meta_ref, xs_ref, ws_ref, wg_ref, wu_ref, wd_ref, ys_ref):
    g = pl.program_id(0)
    used = g < meta_ref[0, 127]

    @pl.when(used)
    def _():
        xb = pltpu.bitcast(xs_ref[...], jnp.bfloat16).reshape(TM, H)
        gg = lax.dot_general(
            xb, wg_ref[0].astype(jnp.bfloat16), (((1,), (1,)), ((), ())),
            preferred_element_type=jnp.float32)
        uu = lax.dot_general(
            xb, wu_ref[0].astype(jnp.bfloat16), (((1,), (1,)), ((), ())),
            preferred_element_type=jnp.float32)
        a = (gg * jax.nn.sigmoid(gg) * uu).astype(jnp.bfloat16)
        o = lax.dot_general(
            a, wd_ref[0].astype(jnp.bfloat16), (((1,), (1,)), ((), ())),
            preferred_element_type=jnp.float32)
        w = ws_ref[0, 0, :][:, None]
        yb = jnp.where(w > 0, o * w, 0.0).astype(jnp.bfloat16)
        ys_ref[...] = pltpu.bitcast(yb.reshape(2 * TM, HI), jnp.int32)


def _combine_scatter_kernel(ys_hbm, ds_hbm, r_hbm,
                            idx_v, buf0, buf1, semi, sem0, sem1):
    cid = lax.axis_index("c")
    sid = lax.axis_index("s")
    wid = sid * 2 + cid
    rpt = P // NW
    nck = rpt // CC
    base = wid * rpt
    for ci in range(nck):
        pltpu.async_copy(ds_hbm.at[pl.ds(base + ci * CC, CC)],
                         idx_v.at[ci], semi).wait()

    bufs = (buf0, buf1)
    sems = (sem0, sem1)
    cps = [None, None]
    cps[0] = pltpu.async_copy(ys_hbm.at[pl.ds(base, CC)], buf0, sem0)
    for ci in range(nck):
        if ci + 1 < nck:
            nb = (ci + 1) % 2
            cps[nb] = pltpu.async_copy(
                ys_hbm.at[pl.ds(base + (ci + 1) * CC, CC)], bufs[nb], sems[nb])
        cps[ci % 2].wait()
        pltpu.sync_copy(bufs[ci % 2], r_hbm.at[idx_v.at[ci]])


def _add_kernel(r0_ref, r1_ref, y_ref):
    r0 = pltpu.bitcast(r0_ref[0], jnp.bfloat16).reshape(TM, H)
    r1 = pltpu.bitcast(r1_ref[0], jnp.bfloat16).reshape(TM, H)
    y_ref[...] = r0.astype(jnp.float32) + r1.astype(jnp.float32)


def kernel(hidden_states, gate_w, Wg, Wu, Wd):
    orig_shape = hidden_states.shape
    x = hidden_states.reshape(-1, H)

    slot, w_flat, meta, xbi = pl.pallas_call(
        _gate_kernel,
        out_shape=(jax.ShapeDtypeStruct((A, 1), jnp.int32),
                   jax.ShapeDtypeStruct((A, 1), jnp.float32),
                   jax.ShapeDtypeStruct((1, 128), jnp.int32),
                   jax.ShapeDtypeStruct((T, HI), jnp.int32)),
        in_specs=[pl.BlockSpec((T, H), lambda: (0, 0)),
                  pl.BlockSpec((E, H), lambda: (0, 0))],
        out_specs=(pl.BlockSpec((A, 1), lambda: (0, 0)),
                   pl.BlockSpec((A, 1), lambda: (0, 0)),
                   pl.BlockSpec((1, 128), lambda: (0, 0)),
                   pl.BlockSpec((T, HI), lambda: (0, 0))),
    )(x, gate_w)

    slot1 = slot.reshape(A)
    wf1 = w_flat.reshape(A)

    xs_i, dst, w_slot = pl.kernel(
        _dispatch_kernel,
        out_type=(jax.ShapeDtypeStruct((P, HI), jnp.int32),
                  jax.ShapeDtypeStruct((P,), jnp.int32),
                  jax.ShapeDtypeStruct((P,), jnp.float32)),
        mesh=plsc.VectorSubcoreMesh(core_axis_name="c", subcore_axis_name="s"),
        compiler_params=_SC_PARAMS,
        scratch_types=[pltpu.VMEM((A,), jnp.int32),
                       pltpu.VMEM((A,), jnp.float32),
                       pltpu.VMEM((P,), jnp.int32),
                       pltpu.VMEM((P,), jnp.float32),
                       pltpu.VMEM((2, TPW), jnp.int32),
                       pltpu.VMEM((TPW, HI), jnp.int32),
                       pltpu.SemaphoreType.DMA,
                       pltpu.SemaphoreType.DMA,
                       pltpu.SemaphoreType.DMA],
    )(xbi, slot1, wf1)

    ws3 = w_slot.reshape(GMAX, 1, TM)

    ys = pl.pallas_call(
        _moe_kernel,
        grid_spec=pltpu.PrefetchScalarGridSpec(
            num_scalar_prefetch=1,
            grid=(GMAX,),
            in_specs=[
                pl.BlockSpec((TM, HI),
                             lambda g, m: (jnp.minimum(g, m[0, 127] - 1), 0)),
                pl.BlockSpec((1, 1, TM),
                             lambda g, m: (jnp.minimum(g, m[0, 127] - 1), 0, 0)),
                pl.BlockSpec((1, F, H), lambda g, m: (m[0, g], 0, 0)),
                pl.BlockSpec((1, F, H), lambda g, m: (m[0, g], 0, 0)),
                pl.BlockSpec((1, H, F), lambda g, m: (m[0, g], 0, 0)),
            ],
            out_specs=pl.BlockSpec(
                (TM, HI), lambda g, m: (jnp.minimum(g, m[0, 127] - 1), 0)),
        ),
        out_shape=jax.ShapeDtypeStruct((P, HI), jnp.int32),
        compiler_params=pltpu.CompilerParams(
            dimension_semantics=("arbitrary",)),
    )(meta, xs_i, ws3, Wg, Wu, Wd)

    r = pl.kernel(
        _combine_scatter_kernel,
        out_type=jax.ShapeDtypeStruct((P, HI), jnp.int32),
        mesh=plsc.VectorSubcoreMesh(core_axis_name="c", subcore_axis_name="s"),
        compiler_params=_SC_PARAMS,
        scratch_types=[pltpu.VMEM((P // NW // CC, CC), jnp.int32),
                       pltpu.VMEM((CC, HI), jnp.int32),
                       pltpu.VMEM((CC, HI), jnp.int32),
                       pltpu.SemaphoreType.DMA,
                       pltpu.SemaphoreType.DMA,
                       pltpu.SemaphoreType.DMA],
    )(ys, dst)
    r3 = r.reshape(P // T, T, HI)

    y = pl.pallas_call(
        _add_kernel,
        grid=(T // TM,),
        out_shape=jax.ShapeDtypeStruct((T, H), jnp.float32),
        in_specs=[pl.BlockSpec((1, TM, HI), lambda t: (0, t, 0)),
                  pl.BlockSpec((1, TM, HI), lambda t: (1, t, 0))],
        out_specs=pl.BlockSpec((TM, H), lambda t: (t, 0)),
    )(r3, r3)

    return y.reshape(orig_shape)

# --- scband reference (transcript-rebuilt; emitter-appended) ---
"""Pipeline reference for scband-maple-sparse-moe-block-49074296324447 (READ-ONLY COPY).

The authoritative reference and input builder live on the scoring server;
editing this copy changes nothing except your own understanding.
"""

import jax, jax.numpy as jnp
import numpy as np

NUM_EXPERTS = 8
TOP_K = 2
HIDDEN = 1024
FFN = 512

def setup_inputs(seed: int = 0) -> dict:
    key = jax.random.key(seed)
    k1, k2, k3, k4, k5 = jax.random.split(key, 5)
    hidden_states = jax.random.normal(k1, (1, 2048, HIDDEN), dtype=jnp.float32)
    gate_w = jax.random.normal(k2, (NUM_EXPERTS, HIDDEN), dtype=jnp.float32) * 0.02
    Wg = jax.random.normal(k3, (NUM_EXPERTS, FFN, HIDDEN), dtype=jnp.float32) * 0.02
    Wu = jax.random.normal(k4, (NUM_EXPERTS, FFN, HIDDEN), dtype=jnp.float32) * 0.02
    Wd = jax.random.normal(k5, (NUM_EXPERTS, HIDDEN, FFN), dtype=jnp.float32) * 0.02
    return {"hidden_states": hidden_states, "gate_w": gate_w, "Wg": Wg, "Wu": Wu, "Wd": Wd}

def _mlp(x, wg, wu, wd):
    return (jax.nn.silu(x @ wg.T) * (x @ wu.T)) @ wd.T

def reference(hidden_states, gate_w, Wg, Wu, Wd):
    orig_shape = hidden_states.shape
    h = orig_shape[-1]
    x = hidden_states.reshape(-1, h)
    # gate
    logits = x.astype(jnp.float32) @ gate_w.astype(jnp.float32).T
    routing_weights = jax.nn.softmax(logits, axis=1)
    scores, topk_idx = jax.lax.top_k(routing_weights, TOP_K)
    topk_weight = scores / (jnp.sum(scores, axis=-1, keepdims=True) + 1e-20)
    # combine weights per expert: [T, E]
    onehot = jax.nn.one_hot(topk_idx, NUM_EXPERTS, dtype=topk_weight.dtype)  # [T, k, E]
    combine = jnp.sum(topk_weight[..., None] * onehot, axis=1)  # [T, E]
    # expert outputs (dense over experts, masked combine -> mathematically identical to dispatch)
    outs = jnp.stack([_mlp(x, Wg[e], Wu[e], Wd[e]) for e in range(NUM_EXPERTS)], axis=1)  # [T, E, h]
    y = jnp.sum(outs * combine[..., None], axis=1)
    return y.reshape(orig_shape)

if __name__ == "__main__":
    import jax
    _d = setup_inputs()
    print(jax.jit(kernel)(*tuple(_d.values())))

</pallas_src>

<mosaic_0001>
#map = affine_map<(d0, d1) -> (0, 0)>
#map1 = affine_map<(d0, d1) -> (0)>
module attributes {stable_mosaic.version = 14 : i64} {
  func.func @_dispatch_kernel(%arg0: i32, %arg1: i32, %arg2: memref<2048x512xi32, #tpu.memory_space<hbm>>, %arg3: memref<4096xi32, #tpu.memory_space<hbm>>, %arg4: memref<4096xf32, #tpu.memory_space<hbm>>, %arg5: memref<8192x512xi32, #tpu.memory_space<hbm>>, %arg6: memref<8192xi32, #tpu.memory_space<hbm>>, %arg7: memref<8192xf32, #tpu.memory_space<hbm>>, %arg8: memref<4096xi32, #tpu.memory_space<vmem>>, %arg9: memref<4096xf32, #tpu.memory_space<vmem>>, %arg10: memref<8192xi32, #tpu.memory_space<vmem>>, %arg11: memref<8192xf32, #tpu.memory_space<vmem>>, %arg12: memref<2x64xi32, #tpu.memory_space<vmem>>, %arg13: memref<64x512xi32, #tpu.memory_space<vmem>>, %arg14: memref<!tpu.dma_semaphore, #tpu.memory_space<semaphore_mem>>, %arg15: memref<!tpu.dma_semaphore, #tpu.memory_space<semaphore_mem>>, %arg16: memref<!tpu.dma_semaphore, #tpu.memory_space<semaphore_mem>>) attributes {dimension_semantics = [#tpu.dimension_semantics<core_parallel>, #tpu.dimension_semantics<subcore_parallel>], iteration_bounds = array<i64: 2, 16>, scalar_prefetch = 0 : i64, scratch_operands = 9 : i64, tpu.core_type = #tpu.core_type<sc_vector_subcore>, window_params = [{transform_indices = #map}, {transform_indices = #map1}, {transform_indices = #map1}, {transform_indices = #map}, {transform_indices = #map1}, {transform_indices = #map1}]} {
    %mul3A = arith.constant 2 : i32
    %mul3A_0 = arith.muli %arg1, %mul3A : i32
    %add3A = arith.addi %mul3A_0, %arg0 : i32
    %mul3A_1 = arith.constant 64 : i32
    %mul3A_2 = arith.muli %add3A, %mul3A_1 : i32
    %dma_start3A = arith.constant 0 : i32
    %dma_start3A_3 = arith.constant 0 : i32
    %dma_start3A_4 = tpu.memref_slice %arg12[%dma_start3A, %dma_start3A_3] : memref<2x64xi32, #tpu.memory_space<vmem>> -> memref<1x64xi32, #tpu.memory_space<vmem>>
    %dma_start3A_5 = tpu.memref_squeeze %dma_start3A_4 : memref<1x64xi32, #tpu.memory_space<vmem>> -> memref<64xi32, #tpu.memory_space<vmem>>
    %dma_start3A_6 = tpu.memref_slice %arg3[%mul3A_2] : memref<4096xi32, #tpu.memory_space<hbm>> -> memref<64xi32, #tpu.memory_space<hbm>>
    %dma_start3A_7 = arith.constant 0 : i32
    %dma_start3A_8 = tpu.memref_slice %arg12[%dma_start3A, %dma_start3A_7] : memref<2x64xi32, #tpu.memory_space<vmem>> -> memref<1x64xi32, #tpu.memory_space<vmem>>
    %dma_start3A_9 = tpu.memref_squeeze %dma_start3A_8 : memref<1x64xi32, #tpu.memory_space<vmem>> -> memref<64xi32, #tpu.memory_space<vmem>>
    %dma_start3A_10 = tpu.memref_slice %arg3[%mul3A_2] : memref<4096xi32, #tpu.memory_space<hbm>> -> memref<64xi32, #tpu.memory_space<hbm>>
    tpu.enqueue_dma source(%dma_start3A_10 : memref<64xi32, #tpu.memory_space<hbm>>) target(%dma_start3A_9 : memref<64xi32, #tpu.memory_space<vmem>>) target_semaphore(%arg15 : memref<!tpu.dma_semaphore, #tpu.memory_space<semaphore_mem>>)
    %add3A_11 = arith.constant 2048 : i32
    %add3A_12 = arith.addi %add3A_11, %mul3A_2 : i32
    %dma_start3A_13 = arith.constant 1 : i32
    %dma_start3A_14 = arith.constant 0 : i32
    %dma_start3A_15 = tpu.memref_slice %arg12[%dma_start3A_13, %dma_start3A_14] : memref<2x64xi32, #tpu.memory_space<vmem>> -> memref<1x64xi32, #tpu.memory_space<vmem>>
    %dma_start3A_16 = tpu.memref_squeeze %dma_start3A_15 : memref<1x64xi32, #tpu.memory_space<vmem>> -> memref<64xi32, #tpu.memory_space<vmem>>
    %dma_start3A_17 = tpu.memref_slice %arg3[%add3A_12] : memref<4096xi32, #tpu.memory_space<hbm>> -> memref<64xi32, #tpu.memory_space<hbm>>
    %dma_start3A_18 = arith.constant 0 : i32
    %dma_start3A_19 = tpu.memref_slice %arg12[%dma_start3A_13, %dma_start3A_18] : memref<2x64xi32, #tpu.memory_space<vmem>> -> memref<1x64xi32, #tpu.memory_space<vmem>>
    %dma_start3A_20 = tpu.memref_squeeze %dma_start3A_19 : memref<1x64xi32, #tpu.memory_space<vmem>> -> memref<64xi32, #tpu.memory_space<vmem>>
    %dma_start3A_21 = tpu.memref_slice %arg3[%add3A_12] : memref<4096xi32, #tpu.memory_space<hbm>> -> memref<64xi32, #tpu.memory_space<hbm>>
    tpu.enqueue_dma source(%dma_start3A_21 : memref<64xi32, #tpu.memory_space<hbm>>) target(%dma_start3A_20 : memref<64xi32, #tpu.memory_space<vmem>>) target_semaphore(%arg15 : memref<!tpu.dma_semaphore, #tpu.memory_space<semaphore_mem>>)
    %dma_start3A_22 = arith.constant 0 : i32
    %dma_start3A_23 = tpu.memref_slice %arg2[%mul3A_2, %dma_start3A_22] : memref<2048x512xi32, #tpu.memory_space<hbm>> -> memref<64x512xi32, #tpu.memory_space<hbm>>
    %dma_start3A_24 = arith.constant 0 : i32
    %dma_start3A_25 = tpu.memref_slice %arg2[%mul3A_2, %dma_start3A_24] : memref<2048x512xi32, #tpu.memory_space<hbm>> -> memref<64x512xi32, #tpu.memory_space<hbm>>
    tpu.enqueue_dma source(%dma_start3A_25 : memref<64x512xi32, #tpu.memory_space<hbm>>) target(%arg13 : memref<64x512xi32, #tpu.memory_space<vmem>>) target_semaphore(%arg16 : memref<!tpu.dma_semaphore, #tpu.memory_space<semaphore_mem>>)
    %dma_wait3A = arith.constant 0 : i32
    %dma_wait3A_26 = arith.constant 0 : i32
    %dma_wait3A_27 = tpu.memref_slice %arg12[%dma_wait3A, %dma_wait3A_26] : memref<2x64xi32, #tpu.memory_space<vmem>> -> memref<1x64xi32, #tpu.memory_space<vmem>>
    %dma_wait3A_28 = tpu.memref_squeeze %dma_wait3A_27 : memref<1x64xi32, #tpu.memory_space<vmem>> -> memref<64xi32, #tpu.memory_space<vmem>>
    %dma_wait3A_29 = arith.constant 0 : i32
    %dma_wait3A_30 = tpu.memref_slice %arg3[%dma_wait3A_29] : memref<4096xi32, #tpu.memory_space<hbm>> -> memref<64xi32, #tpu.memory_space<hbm>>
    %dma_wait3A_31 = arith.constant 0 : i32
    %dma_wait3A_32 = tpu.memref_slice %arg12[%dma_wait3A, %dma_wait3A_31] : memref<2x64xi32, #tpu.memory_space<vmem>> -> memref<1x64xi32, #tpu.memory_space<vmem>>
    %dma_wait3A_33 = tpu.memref_squeeze %dma_wait3A_32 : memref<1x64xi32, #tpu.memory_space<vmem>> -> memref<64xi32, #tpu.memory_space<vmem>>
    %dma_wait3A_34 = arith.constant 0 : i32
    %dma_wait3A_35 = tpu.memref_slice %arg3[%dma_wait3A_34] : memref<4096xi32, #tpu.memory_space<hbm>> -> memref<64xi32, #tpu.memory_space<hbm>>
    tpu.wait_dma2 semaphore(%arg15 : memref<!tpu.dma_semaphore, #tpu.memory_space<semaphore_mem>>) src(%dma_wait3A_35 : memref<64xi32, #tpu.memory_space<hbm>>) dst(%dma_wait3A_33 : memref<64xi32, #tpu.memory_space<vmem>>)
    %dma_wait3A_36 = arith.constant 1 : i32
    %dma_wait3A_37 = arith.constant 0 : i32
    %dma_wait3A_38 = tpu.memref_slice %arg12[%dma_wait3A_36, %dma_wait3A_37] : memref<2x64xi32, #tpu.memory_space<vmem>> -> memref<1x64xi32, #tpu.memory_space<vmem>>
    %dma_wait3A_39 = tpu.memref_squeeze %dma_wait3A_38 : memref<1x64xi32, #tpu.memory_space<vmem>> -> memref<64xi32, #tpu.memory_space<vmem>>
    %dma_wait3A_40 = arith.constant 0 : i32
    %dma_wait3A_41 = tpu.memref_slice %arg3[%dma_wait3A_40] : memref<4096xi32, #tpu.memory_space<hbm>> -> memref<64xi32, #tpu.memory_space<hbm>>
    %dma_wait3A_42 = arith.constant 0 : i32
    %dma_wait3A_43 = tpu.memref_slice %arg12[%dma_wait3A_36, %dma_wait3A_42] : memref<2x64xi32, #tpu.memory_space<vmem>> -> memref<1x64xi32, #tpu.memory_space<vmem>>
    %dma_wait3A_44 = tpu.memref_squeeze %dma_wait3A_43 : memref<1x64xi32, #tpu.memory_space<vmem>> -> memref<64xi32, #tpu.memory_space<vmem>>
    %dma_wait3A_45 = arith.constant 0 : i32
    %dma_wait3A_46 = tpu.memref_slice %arg3[%dma_wait3A_45] : memref<4096xi32, #tpu.memory_space<hbm>> -> memref<64xi32, #tpu.memory_space<hbm>>
    tpu.wait_dma2 semaphore(%arg15 : memref<!tpu.dma_semaphore, #tpu.memory_space<semaphore_mem>>) src(%dma_wait3A_46 : memref<64xi32, #tpu.memory_space<hbm>>) dst(%dma_wait3A_44 : memref<64xi32, #tpu.memory_space<vmem>>)
    %dma_wait3A_47 = arith.constant 0 : i32
    %dma_wait3A_48 = tpu.memref_slice %arg2[%mul3A_2, %dma_wait3A_47] : memref<2048x512xi32, #tpu.memory_space<hbm>> -> memref<64x512xi32, #tpu.memory_space<hbm>>
    %dma_wait3A_49 = arith.constant 0 : i32
    %dma_wait3A_50 = tpu.memref_slice %arg2[%mul3A_2, %dma_wait3A_49] : memref<2048x512xi32, #tpu.memory_space<hbm>> -> memref<64x512xi32, #tpu.memory_space<hbm>>
    tpu.wait_dma2 semaphore(%arg16 : memref<!tpu.dma_semaphore, #tpu.memory_space<semaphore_mem>>) src(%dma_wait3A_50 : memref<64x512xi32, #tpu.memory_space<hbm>>) dst(%arg13 : memref<64x512xi32, #tpu.memory_space<vmem>>)
    %run_scoped3A = arith.constant 0 : i32
    "tpu.region"() ({
      %run_scoped3A_64 = tpu.sem_alloc : memref<!tpu.dma_semaphore, #tpu.memory_space<semaphore_mem>>
      %dma_start3A_65 = arith.constant 0 : i32
      %dma_start3A_66 = tpu.memref_slice %arg12[%run_scoped3A, %dma_start3A_65] : memref<2x64xi32, #tpu.memory_space<vmem>> -> memref<1x64xi32, #tpu.memory_space<vmem>>
      %dma_start3A_67 = tpu.memref_squeeze %dma_start3A_66 : memref<1x64xi32, #tpu.memory_space<vmem>> -> memref<64xi32, #tpu.memory_space<vmem>>
      %dma_start3A_68 = arith.constant 0 : i32
      %dma_start3A_69 = arith.constant 0 : i32
      %dma_start3A_70 = tpu.memref_slice %arg5[%dma_start3A_68, %dma_start3A_69] : memref<8192x512xi32, #tpu.memory_space<hbm>> -> memref<8192x512xi32, #tpu.memory_space<hbm>>
      tpu.enqueue_indirect_dma source(%arg13 : memref<64x512xi32, #tpu.memory_space<vmem>>) target(%dma_start3A_70 : memref<8192x512xi32, #tpu.memory_space<hbm>>) offsets(%dma_start3A_67 : memref<64xi32, #tpu.memory_space<vmem>>) semaphore(%run_scoped3A_64 : memref<!tpu.dma_semaphore, #tpu.memory_space<semaphore_mem>>)
      %dma_wait3A_71 = arith.constant 0 : i32
      %dma_wait3A_72 = tpu.memref_slice %arg12[%run_scoped3A, %dma_wait3A_71] : memref<2x64xi32, #tpu.memory_space<vmem>> -> memref<1x64xi32, #tpu.memory_space<vmem>>
      %dma_wait3A_73 = tpu.memref_squeeze %dma_wait3A_72 : memref<1x64xi32, #tpu.memory_space<vmem>> -> memref<64xi32, #tpu.memory_space<vmem>>
      %dma_wait3A_74 = arith.constant 0 : i32
      %dma_wait3A_75 = arith.constant 0 : i32
      %dma_wait3A_76 = tpu.memref_slice %arg5[%dma_wait3A_74, %dma_wait3A_75] : memref<8192x512xi32, #tpu.memory_space<hbm>> -> memref<8192x512xi32, #tpu.memory_space<hbm>>
      tpu.wait_indirect_dma semaphore(%run_scoped3A_64 : memref<!tpu.dma_semaphore, #tpu.memory_space<semaphore_mem>>) src(%arg13 : memref<64x512xi32, #tpu.memory_space<vmem>>) dst(%dma_wait3A_76 : memref<8192x512xi32, #tpu.memory_space<hbm>>)
      tpu.yield
    }) : () -> ()
    %run_scoped3A_51 = arith.constant 1 : i32
    "tpu.region"() ({
      %run_scoped3A_64 = tpu.sem_alloc : memref<!tpu.dma_semaphore, #tpu.memory_space<semaphore_mem>>
      %dma_start3A_65 = arith.constant 0 : i32
      %dma_start3A_66 = tpu.memref_slice %arg12[%run_scoped3A_51, %dma_start3A_65] : memref<2x64xi32, #tpu.memory_space<vmem>> -> memref<1x64xi32, #tpu.memory_space<vmem>>
      %dma_start3A_67 = tpu.memref_squeeze %dma_start3A_66 : memref<1x64xi32, #tpu.memory_space<vmem>> -> memref<64xi32, #tpu.memory_space<vmem>>
      %dma_start3A_68 = arith.constant 0 : i32
      %dma_start3A_69 = arith.constant 0 : i32
      %dma_start3A_70 = tpu.memref_slice %arg5[%dma_start3A_68, %dma_start3A_69] : memref<8192x512xi32, #tpu.memory_space<hbm>> -> memref<8192x512xi32, #tpu.memory_space<hbm>>
      tpu.enqueue_indirect_dma source(%arg13 : memref<64x512xi32, #tpu.memory_space<vmem>>) target(%dma_start3A_70 : memref<8192x512xi32, #tpu.memory_space<hbm>>) offsets(%dma_start3A_67 : memref<64xi32, #tpu.memory_space<vmem>>) semaphore(%run_scoped3A_64 : memref<!tpu.dma_semaphore, #tpu.memory_space<semaphore_mem>>)
      %dma_wait3A_71 = arith.constant 0 : i32
      %dma_wait3A_72 = tpu.memref_slice %arg12[%run_scoped3A_51, %dma_wait3A_71] : memref<2x64xi32, #tpu.memory_space<vmem>> -> memref<1x64xi32, #tpu.memory_space<vmem>>
      %dma_wait3A_73 = tpu.memref_squeeze %dma_wait3A_72 : memref<1x64xi32, #tpu.memory_space<vmem>> -> memref<64xi32, #tpu.memory_space<vmem>>
      %dma_wait3A_74 = arith.constant 0 : i32
      %dma_wait3A_75 = arith.constant 0 : i32
      %dma_wait3A_76 = tpu.memref_slice %arg5[%dma_wait3A_74, %dma_wait3A_75] : memref<8192x512xi32, #tpu.memory_space<hbm>> -> memref<8192x512xi32, #tpu.memory_space<hbm>>
      tpu.wait_indirect_dma semaphore(%run_scoped3A_64 : memref<!tpu.dma_semaphore, #tpu.memory_space<semaphore_mem>>) src(%arg13 : memref<64x512xi32, #tpu.memory_space<vmem>>) dst(%dma_wait3A_76 : memref<8192x512xi32, #tpu.memory_space<hbm>>)
      tpu.yield
    }) : () -> ()
    %eq3A = arith.constant 0 : i32
    %eq3A_52 = arith.cmpi eq, %arg0, %eq3A : i32
    %eq3A_53 = arith.constant 0 : i32
    %eq3A_54 = arith.cmpi eq, %arg1, %eq3A_53 : i32
    %and3A = arith.andi %eq3A_52, %eq3A_54 : i1
    %convert_element_type3A = arith.extui %and3A : i1 to i32
    %cond3A = arith.constant 0 : i32
    %cond3A_55 = arith.cmpi ne, %convert_element_type3A, %cond3A : i32
    scf.if %cond3A_55 {
      tpu.enqueue_dma source(%arg3 : memref<4096xi32, #tpu.memory_space<hbm>>) target(%arg8 : memref<4096xi32, #tpu.memory_space<vmem>>) target_semaphore(%arg14 : memref<!tpu.dma_semaphore, #tpu.memory_space<semaphore_mem>>)
      tpu.wait_dma2 semaphore(%arg14 : memref<!tpu.dma_semaphore, #tpu.memory_space<semaphore_mem>>) src(%arg3 : memref<4096xi32, #tpu.memory_space<hbm>>) dst(%arg8 : memref<4096xi32, #tpu.memory_space<vmem>>)
      %scan3A = arith.constant 0 : i32
      %scan3A_64 = arith.constant 512 : i32
      %scan3A_65 = arith.addi %scan3A, %scan3A_64 : i32
      %scan3A_66 = arith.constant 1 : i32
      scf.for %scan3A_73 = %scan3A to %scan3A_65 step %scan3A_66  : i32 {
        %mul3A_74 = arith.constant 16 : i32
        %mul3A_75 = arith.muli %scan3A_73, %mul3A_74 : i32
        %add3A_76 = arith.constant 0 : i32
        %add3A_77 = arith.addi %add3A_76, %mul3A_75 : i32
        %iota3A = tpu.iota {dimensions = array<i32: 0>} : vector<16xi32>
        %add3A_78 = vector.broadcast %add3A_77 : i32 to vector<16xi32>
        %add3A_79 = arith.addi %iota3A, %add3A_78 : vector<16xi32>
        %jit3A = arith.constant 2048 : i32
        %eq3A_80 = arith.constant 0 : i32
        %eq3A_81 = arith.cmpi eq, %jit3A, %eq3A_80 : i32
        %jit3A_82 = arith.constant 1 : i32
        %select_n3A = arith.select %eq3A_81, %jit3A_82, %jit3A : i32
        %rem3A = vector.broadcast %select_n3A : i32 to vector<16xi32>
        %rem3A_83 = arith.remsi %add3A_79, %rem3A : vector<16xi32>
        %ne3A = arith.constant 0 : i32
        %ne3A_84 = vector.broadcast %ne3A : i32 to vector<16xi32>
        %ne3A_85 = arith.cmpi ne, %rem3A_83, %ne3A_84 : vector<16xi32>
        %lt3A = arith.constant 0 : i32
        %lt3A_86 = vector.broadcast %lt3A : i32 to vector<16xi32>
        %lt3A_87 = arith.cmpi slt, %rem3A_83, %lt3A_86 : vector<16xi32>
        %lt3A_88 = arith.constant 0 : i32
        %lt3A_89 = arith.cmpi slt, %select_n3A, %lt3A_88 : i32
        %ne3A_90 = vector.broadcast %lt3A_89 : i1 to vector<16xi1>
        %ne3A_91 = vector.broadcast %ne3A_90 : vector<16xi1> to vector<16xi1>
        %ne3A_92 = arith.xori %lt3A_87, %ne3A_91 : vector<16xi1>
        %and3A_93 = arith.andi %ne3A_92, %ne3A_85 : vector<16xi1>
        %add3A_94 = vector.broadcast %select_n3A : i32 to vector<16xi32>
        %add3A_95 = arith.addi %rem3A_83, %add3A_94 : vector<16xi32>
        %select_n3A_96 = arith.select %and3A_93, %add3A_95, %rem3A_83 : vector<16xi1>, vector<16xi32>
        %add3A_97 = arith.constant 4096 : i32
        %add3A_98 = vector.broadcast %add3A_97 : i32 to vector<16xi32>
        %add3A_99 = arith.addi %select_n3A_96, %add3A_98 : vector<16xi32>
        %swap3A = arith.index_cast %add3A_77 : i32 to index
        %swap3A_100 = tpu.vector_load %arg10[%swap3A] {strides = array<i32>} : memref<8192xi32, #tpu.memory_space<vmem>>, vector<16xi32>,
        tpu.vector_store %arg10[%swap3A], %add3A_99 {strides = array<i32>} : memref<8192xi32, #tpu.memory_space<vmem>>, vector<16xi32>,
      }
      %scan3A_67 = arith.constant 512 : i32
      %scan3A_68 = arith.constant 0 : i32
      %scan3A_69 = arith.constant 256 : i32
      %scan3A_70 = arith.addi %scan3A_68, %scan3A_69 : i32
      %scan3A_71 = arith.constant 1 : i32
      scf.for %scan3A_73 = %scan3A_68 to %scan3A_70 step %scan3A_71  : i32 {
        %mul3A_74 = arith.constant 16 : i32
        %mul3A_75 = arith.muli %scan3A_73, %mul3A_74 : i32
        %add3A_76 = arith.constant 0 : i32
        %add3A_77 = arith.addi %add3A_76, %mul3A_75 : i32
        %get3A = arith.index_cast %add3A_77 : i32 to index
        %get3A_78 = tpu.vector_load %arg8[%get3A] {strides = array<i32>} : memref<4096xi32, #tpu.memory_space<vmem>>, vector<16xi32>,
        %iota3A = tpu.iota {dimensions = array<i32: 0>} : vector<16xi32>
        %add3A_79 = vector.broadcast %add3A_77 : i32 to vector<16xi32>
        %add3A_80 = arith.addi %iota3A, %add3A_79 : vector<16xi32>
        tpu.vector_store_idx %arg10[%get3A_78], %add3A_80 : memref<8192xi32, #tpu.memory_space<vmem>>[vector<16xi32>], vector<16xi32>,
      }
      %scan3A_72 = arith.constant 256 : i32
      tpu.enqueue_dma source(%arg10 : memref<8192xi32, #tpu.memory_space<vmem>>) target(%arg6 : memref<8192xi32, #tpu.memory_space<hbm>>) target_semaphore(%arg14 : memref<!tpu.dma_semaphore, #tpu.memory_space<semaphore_mem>>)
      tpu.wait_dma2 semaphore(%arg14 : memref<!tpu.dma_semaphore, #tpu.memory_space<semaphore_mem>>) src(%arg10 : memref<8192xi32, #tpu.memory_space<vmem>>) dst(%arg6 : memref<8192xi32, #tpu.memory_space<hbm>>)
    } else {
    }
    %eq3A_56 = arith.constant 1 : i32
    %eq3A_57 = arith.cmpi eq, %arg0, %eq3A_56 : i32
    %eq3A_58 = arith.constant 0 : i32
    %eq3A_59 = arith.cmpi eq, %arg1, %eq3A_58 : i32
    %and3A_60 = arith.andi %eq3A_57, %eq3A_59 : i1
    %convert_element_type3A_61 = arith.extui %and3A_60 : i1 to i32
    %cond3A_62 = arith.constant 0 : i32
    %cond3A_63 = arith.cmpi ne, %convert_element_type3A_61, %cond3A_62 : i32
    scf.if %cond3A_63 {
      tpu.enqueue_dma source(%arg3 : memref<4096xi32, #tpu.memory_space<hbm>>) target(%arg8 : memref<4096xi32, #tpu.memory_space<vmem>>) target_semaphore(%arg14 : memref<!tpu.dma_semaphore, #tpu.memory_space<semaphore_mem>>)
      tpu.wait_dma2 semaphore(%arg14 : memref<!tpu.dma_semaphore, #tpu.memory_space<semaphore_mem>>) src(%arg3 : memref<4096xi32, #tpu.memory_space<hbm>>) dst(%arg8 : memref<4096xi32, #tpu.memory_space<vmem>>)
      tpu.enqueue_dma source(%arg4 : memref<4096xf32, #tpu.memory_space<hbm>>) target(%arg9 : memref<4096xf32, #tpu.memory_space<vmem>>) target_semaphore(%arg14 : memref<!tpu.dma_semaphore, #tpu.memory_space<semaphore_mem>>)
      tpu.wait_dma2 semaphore(%arg14 : memref<!tpu.dma_semaphore, #tpu.memory_space<semaphore_mem>>) src(%arg4 : memref<4096xf32, #tpu.memory_space<hbm>>) dst(%arg9 : memref<4096xf32, #tpu.memory_space<vmem>>)
      %scan3A = arith.constant 0 : i32
      %scan3A_64 = arith.constant 512 : i32
      %scan3A_65 = arith.addi %scan3A, %scan3A_64 : i32
      %scan3A_66 = arith.constant 1 : i32
      scf.for %scan3A_73 = %scan3A to %scan3A_65 step %scan3A_66  : i32 {
        %mul3A_74 = arith.constant 16 : i32
        %mul3A_75 = arith.muli %scan3A_73, %mul3A_74 : i32
        %add3A_76 = arith.constant 0 : i32
        %add3A_77 = arith.addi %add3A_76, %mul3A_75 : i32
        %broadcast_in_dim3A = arith.constant 0.000000e+00 : f32
        %broadcast_in_dim3A_78 = vector.broadcast %broadcast_in_dim3A : f32 to vector<16xf32>
        %swap3A = arith.index_cast %add3A_77 : i32 to index
        %swap3A_79 = tpu.vector_load %arg11[%swap3A] {strides = array<i32>} : memref<8192xf32, #tpu.memory_space<vmem>>, vector<16xf32>,
        tpu.vector_store %arg11[%swap3A], %broadcast_in_dim3A_78 {strides = array<i32>} : memref<8192xf32, #tpu.memory_space<vmem>>, vector<16xf32>,
      }
      %scan3A_67 = arith.constant 512 : i32
      %scan3A_68 = arith.constant 0 : i32
      %scan3A_69 = arith.constant 256 : i32
      %scan3A_70 = arith.addi %scan3A_68, %scan3A_69 : i32
      %scan3A_71 = arith.constant 1 : i32
      scf.for %scan3A_73 = %scan3A_68 to %scan3A_70 step %scan3A_71  : i32 {
        %mul3A_74 = arith.constant 16 : i32
        %mul3A_75 = arith.muli %scan3A_73, %mul3A_74 : i32
        %add3A_76 = arith.constant 0 : i32
        %add3A_77 = arith.addi %add3A_76, %mul3A_75 : i32
        %get3A = arith.index_cast %add3A_77 : i32 to index
        %get3A_78 = tpu.vector_load %arg8[%get3A] {strides = array<i32>} : memref<4096xi32, #tpu.memory_space<vmem>>, vector<16xi32>,
        %get3A_79 = arith.index_cast %add3A_77 : i32 to index
        %get3A_80 = tpu.vector_load %arg9[%get3A_79] {strides = array<i32>} : memref<4096xf32, #tpu.memory_space<vmem>>, vector<16xf32>,
        tpu.vector_store_idx %arg11[%get3A_78], %get3A_80 : memref<8192xf32, #tpu.memory_space<vmem>>[vector<16xi32>], vector<16xf32>,
      }
      %scan3A_72 = arith.constant 256 : i32
      tpu.enqueue_dma source(%arg11 : memref<8192xf32, #tpu.memory_space<vmem>>) target(%arg7 : memref<8192xf32, #tpu.memory_space<hbm>>) target_semaphore(%arg14 : memref<!tpu.dma_semaphore, #tpu.memory_space<semaphore_mem>>)
      tpu.wait_dma2 semaphore(%arg14 : memref<!tpu.dma_semaphore, #tpu.memory_space<semaphore_mem>>) src(%arg11 : memref<8192xf32, #tpu.memory_space<vmem>>) dst(%arg7 : memref<8192xf32, #tpu.memory_space<hbm>>)
    } else {
    }
    return
  }
}

#map = affine_map<(d0, d1) -> (0, 0)>
#map1 = affine_map<(d0, d1) -> (0)>
module attributes {stable_mosaic.version = 14 : i64} {
  func.func @_combine_scatter_kernel(%arg0: i32, %arg1: i32, %arg2: memref<8192x512xi32, #tpu.memory_space<hbm>>, %arg3: memref<8192xi32, #tpu.memory_space<hbm>>, %arg4: memref<8192x512xi32, #tpu.memory_space<hbm>>, %arg5: memref<4x64xi32, #tpu.memory_space<vmem>>, %arg6: memref<64x512xi32, #tpu.memory_space<vmem>>, %arg7: memref<64x512xi32, #tpu.memory_space<vmem>>, %arg8: memref<!tpu.dma_semaphore, #tpu.memory_space<semaphore_mem>>, %arg9: memref<!tpu.dma_semaphore, #tpu.memory_space<semaphore_mem>>, %arg10: memref<!tpu.dma_semaphore, #tpu.memory_space<semaphore_mem>>) attributes {dimension_semantics = [#tpu.dimension_semantics<core_parallel>, #tpu.dimension_semantics<subcore_parallel>], iteration_bounds = array<i64: 2, 16>, scalar_prefetch = 0 : i64, scratch_operands = 6 : i64, tpu.core_type = #tpu.core_type<sc_vector_subcore>, window_params = [{transform_indices = #map}, {transform_indices = #map1}, {transform_indices = #map}]} {
    %mul3A = arith.constant 2 : i32
    %mul3A_0 = arith.muli %arg1, %mul3A : i32
    %add3A = arith.addi %mul3A_0, %arg0 : i32
    %mul3A_1 = arith.constant 256 : i32
    %mul3A_2 = arith.muli %add3A, %mul3A_1 : i32
    %add3A_3 = arith.constant 0 : i32
    %add3A_4 = arith.addi %mul3A_2, %add3A_3 : i32
    %dma_start3A = arith.constant 0 : i32
    %dma_start3A_5 = arith.constant 0 : i32
    %dma_start3A_6 = tpu.memref_slice %arg5[%dma_start3A, %dma_start3A_5] : memref<4x64xi32, #tpu.memory_space<vmem>> -> memref<1x64xi32, #tpu.memory_space<vmem>>
    %dma_start3A_7 = tpu.memref_squeeze %dma_start3A_6 : memref<1x64xi32, #tpu.memory_space<vmem>> -> memref<64xi32, #tpu.memory_space<vmem>>
    %dma_start3A_8 = tpu.memref_slice %arg3[%add3A_4] : memref<8192xi32, #tpu.memory_space<hbm>> -> memref<64xi32, #tpu.memory_space<hbm>>
    %dma_start3A_9 = arith.constant 0 : i32
    %dma_start3A_10 = tpu.memref_slice %arg5[%dma_start3A, %dma_start3A_9] : memref<4x64xi32, #tpu.memory_space<vmem>> -> memref<1x64xi32, #tpu.memory_space<vmem>>
    %dma_start3A_11 = tpu.memref_squeeze %dma_start3A_10 : memref<1x64xi32, #tpu.memory_space<vmem>> -> memref<64xi32, #tpu.memory_space<vmem>>
    %dma_start3A_12 = tpu.memref_slice %arg3[%add3A_4] : memref<8192xi32, #tpu.memory_space<hbm>> -> memref<64xi32, #tpu.memory_space<hbm>>
    tpu.enqueue_dma source(%dma_start3A_12 : memref<64xi32, #tpu.memory_space<hbm>>) target(%dma_start3A_11 : memref<64xi32, #tpu.memory_space<vmem>>) target_semaphore(%arg8 : memref<!tpu.dma_semaphore, #tpu.memory_space<semaphore_mem>>)
    %dma_wait3A = arith.constant 0 : i32
    %dma_wait3A_13 = arith.constant 0 : i32
    %dma_wait3A_14 = tpu.memref_slice %arg5[%dma_wait3A, %dma_wait3A_13] : memref<4x64xi32, #tpu.memory_space<vmem>> -> memref<1x64xi32, #tpu.memory_space<vmem>>
    %dma_wait3A_15 = tpu.memref_squeeze %dma_wait3A_14 : memref<1x64xi32, #tpu.memory_space<vmem>> -> memref<64xi32, #tpu.memory_space<vmem>>
    %dma_wait3A_16 = tpu.memref_slice %arg3[%add3A_4] : memref<8192xi32, #tpu.memory_space<hbm>> -> memref<64xi32, #tpu.memory_space<hbm>>
    %dma_wait3A_17 = arith.constant 0 : i32
    %dma_wait3A_18 = tpu.memref_slice %arg5[%dma_wait3A, %dma_wait3A_17] : memref<4x64xi32, #tpu.memory_space<vmem>> -> memref<1x64xi32, #tpu.memory_space<vmem>>
    %dma_wait3A_19 = tpu.memref_squeeze %dma_wait3A_18 : memref<1x64xi32, #tpu.memory_space<vmem>> -> memref<64xi32, #tpu.memory_space<vmem>>
    %dma_wait3A_20 = tpu.memref_slice %arg3[%add3A_4] : memref<8192xi32, #tpu.memory_space<hbm>> -> memref<64xi32, #tpu.memory_space<hbm>>
    tpu.wait_dma2 semaphore(%arg8 : memref<!tpu.dma_semaphore, #tpu.memory_space<semaphore_mem>>) src(%dma_wait3A_20 : memref<64xi32, #tpu.memory_space<hbm>>) dst(%dma_wait3A_19 : memref<64xi32, #tpu.memory_space<vmem>>)
    %add3A_21 = arith.constant 64 : i32
    %add3A_22 = arith.addi %mul3A_2, %add3A_21 : i32
    %dma_start3A_23 = arith.constant 1 : i32
    %dma_start3A_24 = arith.constant 0 : i32
    %dma_start3A_25 = tpu.memref_slice %arg5[%dma_start3A_23, %dma_start3A_24] : memref<4x64xi32, #tpu.memory_space<vmem>> -> memref<1x64xi32, #tpu.memory_space<vmem>>
    %dma_start3A_26 = tpu.memref_squeeze %dma_start3A_25 : memref<1x64xi32, #tpu.memory_space<vmem>> -> memref<64xi32, #tpu.memory_space<vmem>>
    %dma_start3A_27 = tpu.memref_slice %arg3[%add3A_22] : memref<8192xi32, #tpu.memory_space<hbm>> -> memref<64xi32, #tpu.memory_space<hbm>>
    %dma_start3A_28 = arith.constant 0 : i32
    %dma_start3A_29 = tpu.memref_slice %arg5[%dma_start3A_23, %dma_start3A_28] : memref<4x64xi32, #tpu.memory_space<vmem>> -> memref<1x64xi32, #tpu.memory_space<vmem>>
    %dma_start3A_30 = tpu.memref_squeeze %dma_start3A_29 : memref<1x64xi32, #tpu.memory_space<vmem>> -> memref<64xi32, #tpu.memory_space<vmem>>
    %dma_start3A_31 = tpu.memref_slice %arg3[%add3A_22] : memref<8192xi32, #tpu.memory_space<hbm>> -> memref<64xi32, #tpu.memory_space<hbm>>
    tpu.enqueue_dma source(%dma_start3A_31 : memref<64xi32, #tpu.memory_space<hbm>>) target(%dma_start3A_30 : memref<64xi32, #tpu.memory_space<vmem>>) target_semaphore(%arg8 : memref<!tpu.dma_semaphore, #tpu.memory_space<semaphore_mem>>)
    %dma_wait3A_32 = arith.constant 1 : i32
    %dma_wait3A_33 = arith.constant 0 : i32
    %dma_wait3A_34 = tpu.memref_slice %arg5[%dma_wait3A_32, %dma_wait3A_33] : memref<4x64xi32, #tpu.memory_space<vmem>> -> memref<1x64xi32, #tpu.memory_space<vmem>>
    %dma_wait3A_35 = tpu.memref_squeeze %dma_wait3A_34 : memref<1x64xi32, #tpu.memory_space<vmem>> -> memref<64xi32, #tpu.memory_space<vmem>>
    %dma_wait3A_36 = tpu.memref_slice %arg3[%add3A_22] : memref<8192xi32, #tpu.memory_space<hbm>> -> memref<64xi32, #tpu.memory_space<hbm>>
    %dma_wait3A_37 = arith.constant 0 : i32
    %dma_wait3A_38 = tpu.memref_slice %arg5[%dma_wait3A_32, %dma_wait3A_37] : memref<4x64xi32, #tpu.memory_space<vmem>> -> memref<1x64xi32, #tpu.memory_space<vmem>>
    %dma_wait3A_39 = tpu.memref_squeeze %dma_wait3A_38 : memref<1x64xi32, #tpu.memory_space<vmem>> -> memref<64xi32, #tpu.memory_space<vmem>>
    %dma_wait3A_40 = tpu.memref_slice %arg3[%add3A_22] : memref<8192xi32, #tpu.memory_space<hbm>> -> memref<64xi32, #tpu.memory_space<hbm>>
    tpu.wait_dma2 semaphore(%arg8 : memref<!tpu.dma_semaphore, #tpu.memory_space<semaphore_mem>>) src(%dma_wait3A_40 : memref<64xi32, #tpu.memory_space<hbm>>) dst(%dma_wait3A_39 : memref<64xi32, #tpu.memory_space<vmem>>)
    %add3A_41 = arith.constant 128 : i32
    %add3A_42 = arith.addi %mul3A_2, %add3A_41 : i32
    %dma_start3A_43 = arith.constant 2 : i32
    %dma_start3A_44 = arith.constant 0 : i32
    %dma_start3A_45 = tpu.memref_slice %arg5[%dma_start3A_43, %dma_start3A_44] : memref<4x64xi32, #tpu.memory_space<vmem>> -> memref<1x64xi32, #tpu.memory_space<vmem>>
    %dma_start3A_46 = tpu.memref_squeeze %dma_start3A_45 : memref<1x64xi32, #tpu.memory_space<vmem>> -> memref<64xi32, #tpu.memory_space<vmem>>
    %dma_start3A_47 = tpu.memref_slice %arg3[%add3A_42] : memref<8192xi32, #tpu.memory_space<hbm>> -> memref<64xi32, #tpu.memory_space<hbm>>
    %dma_start3A_48 = arith.constant 0 : i32
    %dma_start3A_49 = tpu.memref_slice %arg5[%dma_start3A_43, %dma_start3A_48] : memref<4x64xi32, #tpu.memory_space<vmem>> -> memref<1x64xi32, #tpu.memory_space<vmem>>
    %dma_start3A_50 = tpu.memref_squeeze %dma_start3A_49 : memref<1x64xi32, #tpu.memory_space<vmem>> -> memref<64xi32, #tpu.memory_space<vmem>>
    %dma_start3A_51 = tpu.memref_slice %arg3[%add3A_42] : memref<8192xi32, #tpu.memory_space<hbm>> -> memref<64xi32, #tpu.memory_space<hbm>>
    tpu.enqueue_dma source(%dma_start3A_51 : memref<64xi32, #tpu.memory_space<hbm>>) target(%dma_start3A_50 : memref<64xi32, #tpu.memory_space<vmem>>) target_semaphore(%arg8 : memref<!tpu.dma_semaphore, #tpu.memory_space<semaphore_mem>>)
    %dma_wait3A_52 = arith.constant 2 : i32
    %dma_wait3A_53 = arith.constant 0 : i32
    %dma_wait3A_54 = tpu.memref_slice %arg5[%dma_wait3A_52, %dma_wait3A_53] : memref<4x64xi32, #tpu.memory_space<vmem>> -> memref<1x64xi32, #tpu.memory_space<vmem>>
    %dma_wait3A_55 = tpu.memref_squeeze %dma_wait3A_54 : memref<1x64xi32, #tpu.memory_space<vmem>> -> memref<64xi32, #tpu.memory_space<vmem>>
    %dma_wait3A_56 = tpu.memref_slice %arg3[%add3A_42] : memref<8192xi32, #tpu.memory_space<hbm>> -> memref<64xi32, #tpu.memory_space<hbm>>
    %dma_wait3A_57 = arith.constant 0 : i32
    %dma_wait3A_58 = tpu.memref_slice %arg5[%dma_wait3A_52, %dma_wait3A_57] : memref<4x64xi32, #tpu.memory_space<vmem>> -> memref<1x64xi32, #tpu.memory_space<vmem>>
    %dma_wait3A_59 = tpu.memref_squeeze %dma_wait3A_58 : memref<1x64xi32, #tpu.memory_space<vmem>> -> memref<64xi32, #tpu.memory_space<vmem>>
    %dma_wait3A_60 = tpu.memref_slice %arg3[%add3A_42] : memref<8192xi32, #tpu.memory_space<hbm>> -> memref<64xi32, #tpu.memory_space<hbm>>
    tpu.wait_dma2 semaphore(%arg8 : memref<!tpu.dma_semaphore, #tpu.memory_space<semaphore_mem>>) src(%dma_wait3A_60 : memref<64xi32, #tpu.memory_space<hbm>>) dst(%dma_wait3A_59 : memref<64xi32, #tpu.memory_space<vmem>>)
    %add3A_61 = arith.constant 192 : i32
    %add3A_62 = arith.addi %mul3A_2, %add3A_61 : i32
    %dma_start3A_63 = arith.constant 3 : i32
    %dma_start3A_64 = arith.constant 0 : i32
    %dma_start3A_65 = tpu.memref_slice %arg5[%dma_start3A_63, %dma_start3A_64] : memref<4x64xi32, #tpu.memory_space<vmem>> -> memref<1x64xi32, #tpu.memory_space<vmem>>
    %dma_start3A_66 = tpu.memref_squeeze %dma_start3A_65 : memref<1x64xi32, #tpu.memory_space<vmem>> -> memref<64xi32, #tpu.memory_space<vmem>>
    %dma_start3A_67 = tpu.memref_slice %arg3[%add3A_62] : memref<8192xi32, #tpu.memory_space<hbm>> -> memref<64xi32, #tpu.memory_space<hbm>>
    %dma_start3A_68 = arith.constant 0 : i32
    %dma_start3A_69 = tpu.memref_slice %arg5[%dma_start3A_63, %dma_start3A_68] : memref<4x64xi32, #tpu.memory_space<vmem>> -> memref<1x64xi32, #tpu.memory_space<vmem>>
    %dma_start3A_70 = tpu.memref_squeeze %dma_start3A_69 : memref<1x64xi32, #tpu.memory_space<vmem>> -> memref<64xi32, #tpu.memory_space<vmem>>
    %dma_start3A_71 = tpu.memref_slice %arg3[%add3A_62] : memref<8192xi32, #tpu.memory_space<hbm>> -> memref<64xi32, #tpu.memory_space<hbm>>
    tpu.enqueue_dma source(%dma_start3A_71 : memref<64xi32, #tpu.memory_space<hbm>>) target(%dma_start3A_70 : memref<64xi32, #tpu.memory_space<vmem>>) target_semaphore(%arg8 : memref<!tpu.dma_semaphore, #tpu.memory_space<semaphore_mem>>)
    %dma_wait3A_72 = arith.constant 3 : i32
    %dma_wait3A_73 = arith.constant 0 : i32
    %dma_wait3A_74 = tpu.memref_slice %arg5[%dma_wait3A_72, %dma_wait3A_73] : memref<4x64xi32, #tpu.memory_space<vmem>> -> memref<1x64xi32, #tpu.memory_space<vmem>>
    %dma_wait3A_75 = tpu.memref_squeeze %dma_wait3A_74 : memref<1x64xi32, #tpu.memory_space<vmem>> -> memref<64xi32, #tpu.memory_space<vmem>>
    %dma_wait3A_76 = tpu.memref_slice %arg3[%add3A_62] : memref<8192xi32, #tpu.memory_space<hbm>> -> memref<64xi32, #tpu.memory_space<hbm>>
    %dma_wait3A_77 = arith.constant 0 : i32
    %dma_wait3A_78 = tpu.memref_slice %arg5[%dma_wait3A_72, %dma_wait3A_77] : memref<4x64xi32, #tpu.memory_space<vmem>> -> memref<1x64xi32, #tpu.memory_space<vmem>>
    %dma_wait3A_79 = tpu.memref_squeeze %dma_wait3A_78 : memref<1x64xi32, #tpu.memory_space<vmem>> -> memref<64xi32, #tpu.memory_space<vmem>>
    %dma_wait3A_80 = tpu.memref_slice %arg3[%add3A_62] : memref<8192xi32, #tpu.memory_space<hbm>> -> memref<64xi32, #tpu.memory_space<hbm>>
    tpu.wait_dma2 semaphore(%arg8 : memref<!tpu.dma_semaphore, #tpu.memory_space<semaphore_mem>>) src(%dma_wait3A_80 : memref<64xi32, #tpu.memory_space<hbm>>) dst(%dma_wait3A_79 : memref<64xi32, #tpu.memory_space<vmem>>)
    %dma_start3A_81 = arith.constant 0 : i32
    %dma_start3A_82 = tpu.memref_slice %arg2[%mul3A_2, %dma_start3A_81] : memref<8192x512xi32, #tpu.memory_space<hbm>> -> memref<64x512xi32, #tpu.memory_space<hbm>>
    %dma_start3A_83 = arith.constant 0 : i32
    %dma_start3A_84 = tpu.memref_slice %arg2[%mul3A_2, %dma_start3A_83] : memref<8192x512xi32, #tpu.memory_space<hbm>> -> memref<64x512xi32, #tpu.memory_space<hbm>>
    tpu.enqueue_dma source(%dma_start3A_84 : memref<64x512xi32, #tpu.memory_space<hbm>>) target(%arg6 : memref<64x512xi32, #tpu.memory_space<vmem>>) target_semaphore(%arg9 : memref<!tpu.dma_semaphore, #tpu.memory_space<semaphore_mem>>)
    %add3A_85 = arith.constant 64 : i32
    %add3A_86 = arith.addi %mul3A_2, %add3A_85 : i32
    %dma_start3A_87 = arith.constant 0 : i32
    %dma_start3A_88 = tpu.memref_slice %arg2[%add3A_86, %dma_start3A_87] : memref<8192x512xi32, #tpu.memory_space<hbm>> -> memref<64x512xi32, #tpu.memory_space<hbm>>
    %dma_start3A_89 = arith.constant 0 : i32
    %dma_start3A_90 = tpu.memref_slice %arg2[%add3A_86, %dma_start3A_89] : memref<8192x512xi32, #tpu.memory_space<hbm>> -> memref<64x512xi32, #tpu.memory_space<hbm>>
    tpu.enqueue_dma source(%dma_start3A_90 : memref<64x512xi32, #tpu.memory_space<hbm>>) target(%arg7 : memref<64x512xi32, #tpu.memory_space<vmem>>) target_semaphore(%arg10 : memref<!tpu.dma_semaphore, #tpu.memory_space<semaphore_mem>>)
    %dma_wait3A_91 = arith.constant 0 : i32
    %dma_wait3A_92 = tpu.memref_slice %arg2[%mul3A_2, %dma_wait3A_91] : memref<8192x512xi32, #tpu.memory_space<hbm>> -> memref<64x512xi32, #tpu.memory_space<hbm>>
    %dma_wait3A_93 = arith.constant 0 : i32
    %dma_wait3A_94 = tpu.memref_slice %arg2[%mul3A_2, %dma_wait3A_93] : memref<8192x512xi32, #tpu.memory_space<hbm>> -> memref<64x512xi32, #tpu.memory_space<hbm>>
    tpu.wait_dma2 semaphore(%arg9 : memref<!tpu.dma_semaphore, #tpu.memory_space<semaphore_mem>>) src(%dma_wait3A_94 : memref<64x512xi32, #tpu.memory_space<hbm>>) dst(%arg6 : memref<64x512xi32, #tpu.memory_space<vmem>>)
    %run_scoped3A = arith.constant 0 : i32
    "tpu.region"() ({
      %run_scoped3A_122 = tpu.sem_alloc : memref<!tpu.dma_semaphore, #tpu.memory_space<semaphore_mem>>
      %dma_start3A_123 = arith.constant 0 : i32
      %dma_start3A_124 = tpu.memref_slice %arg5[%run_scoped3A, %dma_start3A_123] : memref<4x64xi32, #tpu.memory_space<vmem>> -> memref<1x64xi32, #tpu.memory_space<vmem>>
      %dma_start3A_125 = tpu.memref_squeeze %dma_start3A_124 : memref<1x64xi32, #tpu.memory_space<vmem>> -> memref<64xi32, #tpu.memory_space<vmem>>
      %dma_start3A_126 = arith.constant 0 : i32
      %dma_start3A_127 = arith.constant 0 : i32
      %dma_start3A_128 = tpu.memref_slice %arg4[%dma_start3A_126, %dma_start3A_127] : memref<8192x512xi32, #tpu.memory_space<hbm>> -> memref<8192x512xi32, #tpu.memory_space<hbm>>
      tpu.enqueue_indirect_dma source(%arg6 : memref<64x512xi32, #tpu.memory_space<vmem>>) target(%dma_start3A_128 : memref<8192x512xi32, #tpu.memory_space<hbm>>) offsets(%dma_start3A_125 : memref<64xi32, #tpu.memory_space<vmem>>) semaphore(%run_scoped3A_122 : memref<!tpu.dma_semaphore, #tpu.memory_space<semaphore_mem>>)
      %dma_wait3A_129 = arith.constant 0 : i32
      %dma_wait3A_130 = tpu.memref_slice %arg5[%run_scoped3A, %dma_wait3A_129] : memref<4x64xi32, #tpu.memory_space<vmem>> -> memref<1x64xi32, #tpu.memory_space<vmem>>
      %dma_wait3A_131 = tpu.memref_squeeze %dma_wait3A_130 : memref<1x64xi32, #tpu.memory_space<vmem>> -> memref<64xi32, #tpu.memory_space<vmem>>
      %dma_wait3A_132 = arith.constant 0 : i32
      %dma_wait3A_133 = arith.constant 0 : i32
      %dma_wait3A_134 = tpu.memref_slice %arg4[%dma_wait3A_132, %dma_wait3A_133] : memref<8192x512xi32, #tpu.memory_space<hbm>> -> memref<8192x512xi32, #tpu.memory_space<hbm>>
      tpu.wait_indirect_dma semaphore(%run_scoped3A_122 : memref<!tpu.dma_semaphore, #tpu.memory_space<semaphore_mem>>) src(%arg6 : memref<64x512xi32, #tpu.memory_space<vmem>>) dst(%dma_wait3A_134 : memref<8192x512xi32, #tpu.memory_space<hbm>>)
      tpu.yield
    }) : () -> ()
    %add3A_95 = arith.constant 128 : i32
    %add3A_96 = arith.addi %mul3A_2, %add3A_95 : i32
    %dma_start3A_97 = arith.constant 0 : i32
    %dma_start3A_98 = tpu.memref_slice %arg2[%add3A_96, %dma_start3A_97] : memref<8192x512xi32, #tpu.memory_space<hbm>> -> memref<64x512xi32, #tpu.memory_space<hbm>>
    %dma_start3A_99 = arith.constant 0 : i32
    %dma_start3A_100 = tpu.memref_slice %arg2[%add3A_96, %dma_start3A_99] : memref<8192x512xi32, #tpu.memory_space<hbm>> -> memref<64x512xi32, #tpu.memory_space<hbm>>
    tpu.enqueue_dma source(%dma_start3A_100 : memref<64x512xi32, #tpu.memory_space<hbm>>) target(%arg6 : memref<64x512xi32, #tpu.memory_space<vmem>>) target_semaphore(%arg9 : memref<!tpu.dma_semaphore, #tpu.memory_space<semaphore_mem>>)
    %dma_wait3A_101 = arith.constant 0 : i32
    %dma_wait3A_102 = tpu.memref_slice %arg2[%add3A_86, %dma_wait3A_101] : memref<8192x512xi32, #tpu.memory_space<hbm>> -> memref<64x512xi32, #tpu.memory_space<hbm>>
    %dma_wait3A_103 = arith.constant 0 : i32
    %dma_wait3A_104 = tpu.memref_slice %arg2[%add3A_86, %dma_wait3A_103] : memref<8192x512xi32, #tpu.memory_space<hbm>> -> memref<64x512xi32, #tpu.memory_space<hbm>>
    tpu.wait_dma2 semaphore(%arg10 : memref<!tpu.dma_semaphore, #tpu.memory_space<semaphore_mem>>) src(%dma_wait3A_104 : memref<64x512xi32, #tpu.memory_space<hbm>>) dst(%arg7 : memref<64x512xi32, #tpu.memory_space<vmem>>)
    %run_scoped3A_105 = arith.constant 1 : i32
    "tpu.region"() ({
      %run_scoped3A_122 = tpu.sem_alloc : memref<!tpu.dma_semaphore, #tpu.memory_space<semaphore_mem>>
      %dma_start3A_123 = arith.constant 0 : i32
      %dma_start3A_124 = tpu.memref_slice %arg5[%run_scoped3A_105, %dma_start3A_123] : memref<4x64xi32, #tpu.memory_space<vmem>> -> memref<1x64xi32, #tpu.memory_space<vmem>>
      %dma_start3A_125 = tpu.memref_squeeze %dma_start3A_124 : memref<1x64xi32, #tpu.memory_space<vmem>> -> memref<64xi32, #tpu.memory_space<vmem>>
      %dma_start3A_126 = arith.constant 0 : i32
      %dma_start3A_127 = arith.constant 0 : i32
      %dma_start3A_128 = tpu.memref_slice %arg4[%dma_start3A_126, %dma_start3A_127] : memref<8192x512xi32, #tpu.memory_space<hbm>> -> memref<8192x512xi32, #tpu.memory_space<hbm>>
      tpu.enqueue_indirect_dma source(%arg7 : memref<64x512xi32, #tpu.memory_space<vmem>>) target(%dma_start3A_128 : memref<8192x512xi32, #tpu.memory_space<hbm>>) offsets(%dma_start3A_125 : memref<64xi32, #tpu.memory_space<vmem>>) semaphore(%run_scoped3A_122 : memref<!tpu.dma_semaphore, #tpu.memory_space<semaphore_mem>>)
      %dma_wait3A_129 = arith.constant 0 : i32
      %dma_wait3A_130 = tpu.memref_slice %arg5[%run_scoped3A_105, %dma_wait3A_129] : memref<4x64xi32, #tpu.memory_space<vmem>> -> memref<1x64xi32, #tpu.memory_space<vmem>>
      %dma_wait3A_131 = tpu.memref_squeeze %dma_wait3A_130 : memref<1x64xi32, #tpu.memory_space<vmem>> -> memref<64xi32, #tpu.memory_space<vmem>>
      %dma_wait3A_132 = arith.constant 0 : i32
      %dma_wait3A_133 = arith.constant 0 : i32
      %dma_wait3A_134 = tpu.memref_slice %arg4[%dma_wait3A_132, %dma_wait3A_133] : memref<8192x512xi32, #tpu.memory_space<hbm>> -> memref<8192x512xi32, #tpu.memory_space<hbm>>
      tpu.wait_indirect_dma semaphore(%run_scoped3A_122 : memref<!tpu.dma_semaphore, #tpu.memory_space<semaphore_mem>>) src(%arg7 : memref<64x512xi32, #tpu.memory_space<vmem>>) dst(%dma_wait3A_134 : memref<8192x512xi32, #tpu.memory_space<hbm>>)
      tpu.yield
    }) : () -> ()
    %add3A_106 = arith.constant 192 : i32
    %add3A_107 = arith.addi %mul3A_2, %add3A_106 : i32
    %dma_start3A_108 = arith.constant 0 : i32
    %dma_start3A_109 = tpu.memref_slice %arg2[%add3A_107, %dma_start3A_108] : memref<8192x512xi32, #tpu.memory_space<hbm>> -> memref<64x512xi32, #tpu.memory_space<hbm>>
    %dma_start3A_110 = arith.constant 0 : i32
    %dma_start3A_111 = tpu.memref_slice %arg2[%add3A_107, %dma_start3A_110] : memref<8192x512xi32, #tpu.memory_space<hbm>> -> memref<64x512xi32, #tpu.memory_space<hbm>>
    tpu.enqueue_dma source(%dma_start3A_111 : memref<64x512xi32, #tpu.memory_space<hbm>>) target(%arg7 : memref<64x512xi32, #tpu.memory_space<vmem>>) target_semaphore(%arg10 : memref<!tpu.dma_semaphore, #tpu.memory_space<semaphore_mem>>)
    %dma_wait3A_112 = arith.constant 0 : i32
    %dma_wait3A_113 = tpu.memref_slice %arg2[%add3A_96, %dma_wait3A_112] : memref<8192x512xi32, #tpu.memory_space<hbm>> -> memref<64x512xi32, #tpu.memory_space<hbm>>
    %dma_wait3A_114 = arith.constant 0 : i32
    %dma_wait3A_115 = tpu.memref_slice %arg2[%add3A_96, %dma_wait3A_114] : memref<8192x512xi32, #tpu.memory_space<hbm>> -> memref<64x512xi32, #tpu.memory_space<hbm>>
    tpu.wait_dma2 semaphore(%arg9 : memref<!tpu.dma_semaphore, #tpu.memory_space<semaphore_mem>>) src(%dma_wait3A_115 : memref<64x512xi32, #tpu.memory_space<hbm>>) dst(%arg6 : memref<64x512xi32, #tpu.memory_space<vmem>>)
    %run_scoped3A_116 = arith.constant 2 : i32
    "tpu.region"() ({
      %run_scoped3A_122 = tpu.sem_alloc : memref<!tpu.dma_semaphore, #tpu.memory_space<semaphore_mem>>
      %dma_start3A_123 = arith.constant 0 : i32
      %dma_start3A_124 = tpu.memref_slice %arg5[%run_scoped3A_116, %dma_start3A_123] : memref<4x64xi32, #tpu.memory_space<vmem>> -> memref<1x64xi32, #tpu.memory_space<vmem>>
      %dma_start3A_125 = tpu.memref_squeeze %dma_start3A_124 : memref<1x64xi32, #tpu.memory_space<vmem>> -> memref<64xi32, #tpu.memory_space<vmem>>
      %dma_start3A_126 = arith.constant 0 : i32
      %dma_start3A_127 = arith.constant 0 : i32
      %dma_start3A_128 = tpu.memref_slice %arg4[%dma_start3A_126, %dma_start3A_127] : memref<8192x512xi32, #tpu.memory_space<hbm>> -> memref<8192x512xi32, #tpu.memory_space<hbm>>
      tpu.enqueue_indirect_dma source(%arg6 : memref<64x512xi32, #tpu.memory_space<vmem>>) target(%dma_start3A_128 : memref<8192x512xi32, #tpu.memory_space<hbm>>) offsets(%dma_start3A_125 : memref<64xi32, #tpu.memory_space<vmem>>) semaphore(%run_scoped3A_122 : memref<!tpu.dma_semaphore, #tpu.memory_space<semaphore_mem>>)
      %dma_wait3A_129 = arith.constant 0 : i32
      %dma_wait3A_130 = tpu.memref_slice %arg5[%run_scoped3A_116, %dma_wait3A_129] : memref<4x64xi32, #tpu.memory_space<vmem>> -> memref<1x64xi32, #tpu.memory_space<vmem>>
      %dma_wait3A_131 = tpu.memref_squeeze %dma_wait3A_130 : memref<1x64xi32, #tpu.memory_space<vmem>> -> memref<64xi32, #tpu.memory_space<vmem>>
      %dma_wait3A_132 = arith.constant 0 : i32
      %dma_wait3A_133 = arith.constant 0 : i32
      %dma_wait3A_134 = tpu.memref_slice %arg4[%dma_wait3A_132, %dma_wait3A_133] : memref<8192x512xi32, #tpu.memory_space<hbm>> -> memref<8192x512xi32, #tpu.memory_space<hbm>>
      tpu.wait_indirect_dma semaphore(%run_scoped3A_122 : memref<!tpu.dma_semaphore, #tpu.memory_space<semaphore_mem>>) src(%arg6 : memref<64x512xi32, #tpu.memory_space<vmem>>) dst(%dma_wait3A_134 : memref<8192x512xi32, #tpu.memory_space<hbm>>)
      tpu.yield
    }) : () -> ()
    %dma_wait3A_117 = arith.constant 0 : i32
    %dma_wait3A_118 = tpu.memref_slice %arg2[%add3A_107, %dma_wait3A_117] : memref<8192x512xi32, #tpu.memory_space<hbm>> -> memref<64x512xi32, #tpu.memory_space<hbm>>
    %dma_wait3A_119 = arith.constant 0 : i32
    %dma_wait3A_120 = tpu.memref_slice %arg2[%add3A_107, %dma_wait3A_119] : memref<8192x512xi32, #tpu.memory_space<hbm>> -> memref<64x512xi32, #tpu.memory_space<hbm>>
    tpu.wait_dma2 semaphore(%arg10 : memref<!tpu.dma_semaphore, #tpu.memory_space<semaphore_mem>>) src(%dma_wait3A_120 : memref<64x512xi32, #tpu.memory_space<hbm>>) dst(%arg7 : memref<64x512xi32, #tpu.memory_space<vmem>>)
    %run_scoped3A_121 = arith.constant 3 : i32
    "tpu.region"() ({
      %run_scoped3A_122 = tpu.sem_alloc : memref<!tpu.dma_semaphore, #tpu.memory_space<semaphore_mem>>
      %dma_start3A_123 = arith.constant 0 : i32
      %dma_start3A_124 = tpu.memref_slice %arg5[%run_scoped3A_121, %dma_start3A_123] : memref<4x64xi32, #tpu.memory_space<vmem>> -> memref<1x64xi32, #tpu.memory_space<vmem>>
      %dma_start3A_125 = tpu.memref_squeeze %dma_start3A_124 : memref<1x64xi32, #tpu.memory_space<vmem>> -> memref<64xi32, #tpu.memory_space<vmem>>
      %dma_start3A_126 = arith.constant 0 : i32
      %dma_start3A_127 = arith.constant 0 : i32
      %dma_start3A_128 = tpu.memref_slice %arg4[%dma_start3A_126, %dma_start3A_127] : memref<8192x512xi32, #tpu.memory_space<hbm>> -> memref<8192x512xi32, #tpu.memory_space<hbm>>
      tpu.enqueue_indirect_dma source(%arg7 : memref<64x512xi32, #tpu.memory_space<vmem>>) target(%dma_start3A_128 : memref<8192x512xi32, #tpu.memory_space<hbm>>) offsets(%dma_start3A_125 : memref<64xi32, #tpu.memory_space<vmem>>) semaphore(%run_scoped3A_122 : memref<!tpu.dma_semaphore, #tpu.memory_space<semaphore_mem>>)
      %dma_wait3A_129 = arith.constant 0 : i32
      %dma_wait3A_130 = tpu.memref_slice %arg5[%run_scoped3A_121, %dma_wait3A_129] : memref<4x64xi32, #tpu.memory_space<vmem>> -> memref<1x64xi32, #tpu.memory_space<vmem>>
      %dma_wait3A_131 = tpu.memref_squeeze %dma_wait3A_130 : memref<1x64xi32, #tpu.memory_space<vmem>> -> memref<64xi32, #tpu.memory_space<vmem>>
      %dma_wait3A_132 = arith.constant 0 : i32
      %dma_wait3A_133 = arith.constant 0 : i32
      %dma_wait3A_134 = tpu.memref_slice %arg4[%dma_wait3A_132, %dma_wait3A_133] : memref<8192x512xi32, #tpu.memory_space<hbm>> -> memref<8192x512xi32, #tpu.memory_space<hbm>>
      tpu.wait_indirect_dma semaphore(%run_scoped3A_122 : memref<!tpu.dma_semaphore, #tpu.memory_space<semaphore_mem>>) src(%arg7 : memref<64x512xi32, #tpu.memory_space<vmem>>) dst(%dma_wait3A_134 : memref<8192x512xi32, #tpu.memory_space<hbm>>)
      tpu.yield
    }) : () -> ()
    return
  }
}

module attributes {stable_mosaic.version = 14 : i64} {
  func.func @_moe_kernel(%arg0: i32, %arg1: memref<1x128xi32, #tpu.memory_space<smem>>, %arg2: memref<512x512xi32, #tpu.memory_space<vmem>>, %arg3: memref<1x1x512xf32, #tpu.memory_space<vmem>>, %arg4: memref<1x512x1024xf32, #tpu.memory_space<vmem>>, %arg5: memref<1x512x1024xf32, #tpu.memory_space<vmem>>, %arg6: memref<1x1024x512xf32, #tpu.memory_space<vmem>>, %arg7: memref<512x512xi32, #tpu.memory_space<vmem>>) attributes {dimension_semantics = [#tpu.dimension_semantics<arbitrary>], iteration_bounds = array<i64: 16>, scalar_prefetch = 1 : i64, scratch_operands = 0 : i64, tpu.core_type = #tpu.core_type<tc>, window_params = [{transform_indices = @transform_0, window_bounds = array<i64: 512, 512>}, {transform_indices = @transform_1, window_bounds = array<i64: 1, 1, 512>}, {transform_indices = @transform_2, window_bounds = array<i64: 1, 512, 1024>}, {transform_indices = @transform_3, window_bounds = array<i64: 1, 512, 1024>}, {transform_indices = @transform_4, window_bounds = array<i64: 1, 1024, 512>}, {transform_indices = @transform_5, window_bounds = array<i64: 512, 512>}]} {
    %get3A = arith.constant 0 : index
    %get3A_0 = arith.constant 127 : index
    %get3A_1 = memref.load %arg1[%get3A, %get3A_0] : memref<1x128xi32, #tpu.memory_space<smem>>
    %lt3A = arith.cmpi slt, %arg0, %get3A_1 : i32
    %convert_element_type3A = arith.extui %lt3A : i1 to i32
    %cond3A = arith.constant 0 : i32
    %cond3A_2 = arith.cmpi ne, %convert_element_type3A, %cond3A : i32
    scf.if %cond3A_2 {
      %get3A_3 = arith.constant 0 : index
      %get3A_4 = arith.constant 0 : index
      %get3A_5 = vector.load %arg2[%get3A_3, %get3A_4] : memref<512x512xi32, #tpu.memory_space<vmem>>, vector<512x512xi32>
      %bitcast3A = tpu.bitcast %get3A_5 : vector<512x512xi32> -> vector<1024x512xbf16>
      %reshape3A = vector.shape_cast %bitcast3A : vector<1024x512xbf16> to vector<512x1024xbf16>
      %get3A_6 = arith.constant 0 : index
      %get3A_7 = arith.constant 0 : index
      %get3A_8 = arith.constant 0 : index
      %get3A_9 = vector.load %arg4[%get3A_6, %get3A_7, %get3A_8] : memref<1x512x1024xf32, #tpu.memory_space<vmem>>, vector<1x512x1024xf32>
      %get3A_10 = vector.shape_cast %get3A_9 : vector<1x512x1024xf32> to vector<512x1024xf32>
      %convert_element_type3A_11 = arith.truncf %get3A_10 : vector<512x1024xf32> to vector<512x1024xbf16>
      %dot_general3A = arith.constant dense<0.000000e+00> : vector<512x512xf32>
      %dot_general3A_12 = tpu.matmul %reshape3A, %convert_element_type3A_11, %dot_general3A {dimension_numbers = #tpu.dot_dimension_numbers<[1], [1], [0], [0], [0, 0, 1, 0], [], []>, transpose_lhs_hint = false} : vector<512x1024xbf16>, vector<512x1024xbf16>, vector<512x512xf32> -> vector<512x512xf32>
      %get3A_13 = arith.constant 0 : index
      %get3A_14 = arith.constant 0 : index
      %get3A_15 = arith.constant 0 : index
      %get3A_16 = vector.load %arg5[%get3A_13, %get3A_14, %get3A_15] : memref<1x512x1024xf32, #tpu.memory_space<vmem>>, vector<1x512x1024xf32>
      %get3A_17 = vector.shape_cast %get3A_16 : vector<1x512x1024xf32> to vector<512x1024xf32>
      %convert_element_type3A_18 = arith.truncf %get3A_17 : vector<512x1024xf32> to vector<512x1024xbf16>
      %dot_general3A_19 = arith.constant dense<0.000000e+00> : vector<512x512xf32>
      %dot_general3A_20 = tpu.matmul %reshape3A, %convert_element_type3A_18, %dot_general3A_19 {dimension_numbers = #tpu.dot_dimension_numbers<[1], [1], [0], [0], [0, 0, 1, 0], [], []>, transpose_lhs_hint = false} : vector<512x1024xbf16>, vector<512x1024xbf16>, vector<512x512xf32> -> vector<512x512xf32>
      %logistic3A = arith.negf %dot_general3A_12 : vector<512x512xf32>
      %logistic3A_21 = math.exp %logistic3A : vector<512x512xf32>
      %logistic3A_22 = arith.constant 1.000000e+00 : f32
      %logistic3A_23 = vector.broadcast %logistic3A_22 : f32 to vector<512x512xf32>
      %logistic3A_24 = arith.addf %logistic3A_23, %logistic3A_21 : vector<512x512xf32>
      %logistic3A_25 = arith.divf %logistic3A_23, %logistic3A_24 : vector<512x512xf32>
      %mul3A = arith.mulf %dot_general3A_12, %logistic3A_25 : vector<512x512xf32>
      %mul3A_26 = arith.mulf %mul3A, %dot_general3A_20 : vector<512x512xf32>
      %convert_element_type3A_27 = arith.truncf %mul3A_26 : vector<512x512xf32> to vector<512x512xbf16>
      %get3A_28 = arith.constant 0 : index
      %get3A_29 = arith.constant 0 : index
      %get3A_30 = arith.constant 0 : index
      %get3A_31 = vector.load %arg6[%get3A_28, %get3A_29, %get3A_30] : memref<1x1024x512xf32, #tpu.memory_space<vmem>>, vector<1x1024x512xf32>
      %get3A_32 = vector.shape_cast %get3A_31 : vector<1x1024x512xf32> to vector<1024x512xf32>
      %convert_element_type3A_33 = arith.truncf %get3A_32 : vector<1024x512xf32> to vector<1024x512xbf16>
      %dot_general3A_34 = arith.constant dense<0.000000e+00> : vector<512x1024xf32>
      %dot_general3A_35 = tpu.matmul %convert_element_type3A_27, %convert_element_type3A_33, %dot_general3A_34 {dimension_numbers = #tpu.dot_dimension_numbers<[1], [1], [0], [0], [0, 0, 1, 0], [], []>, transpose_lhs_hint = false} : vector<512x512xbf16>, vector<1024x512xbf16>, vector<512x1024xf32> -> vector<512x1024xf32>
      %get3A_36 = arith.constant 0 : index
      %get3A_37 = arith.constant 0 : index
      %get3A_38 = arith.constant 0 : index
      %get3A_39 = vector.load %arg3[%get3A_36, %get3A_37, %get3A_38] : memref<1x1x512xf32, #tpu.memory_space<vmem>>, vector<1x1x512xf32>
      %get3A_40 = vector.shape_cast %get3A_39 : vector<1x1x512xf32> to vector<512xf32>
      %broadcast_in_dim3A = vector.shape_cast %get3A_40 : vector<512xf32> to vector<512x1xf32>
      %gt3A = arith.constant 0.000000e+00 : f32
      %gt3A_41 = vector.broadcast %gt3A : f32 to vector<512x1xf32>
      %gt3A_42 = arith.cmpf ogt, %broadcast_in_dim3A, %gt3A_41 : vector<512x1xf32>
      %mul3A_43 = vector.broadcast %broadcast_in_dim3A : vector<512x1xf32> to vector<512x1024xf32>
      %mul3A_44 = arith.mulf %dot_general3A_35, %mul3A_43 : vector<512x1024xf32>
      %jit3A = arith.constant 0.000000e+00 : f32
      %broadcast_in_dim3A_45 = vector.shape_cast %gt3A_42 : vector<512x1xi1> to vector<512x1xi1>
      %broadcast_in_dim3A_46 = vector.broadcast %broadcast_in_dim3A_45 : vector<512x1xi1> to vector<512x1024xi1>
      %broadcast_in_dim3A_47 = vector.broadcast %jit3A : f32 to vector<512x1024xf32>
      %select_n3A = arith.select %broadcast_in_dim3A_46, %mul3A_44, %broadcast_in_dim3A_47 : vector<512x1024xi1>, vector<512x1024xf32>
      %convert_element_type3A_48 = arith.truncf %select_n3A : vector<512x1024xf32> to vector<512x1024xbf16>
      %reshape3A_49 = vector.shape_cast %convert_element_type3A_48 : vector<512x1024xbf16> to vector<1024x512xbf16>
      %bitcast3A_50 = tpu.bitcast %reshape3A_49 : vector<1024x512xbf16> -> vector<512x512xi32>
      %swap3A = arith.constant 0 : index
      %swap3A_51 = arith.constant 0 : index
      %swap3A_52 = vector.load %arg7[%swap3A, %swap3A_51] : memref<512x512xi32, #tpu.memory_space<vmem>>, vector<512x512xi32>
      tpu.vector_store %arg7[%swap3A, %swap3A_51], %bitcast3A_50 {strides = array<i32>} : memref<512x512xi32, #tpu.memory_space<vmem>>, vector<512x512xi32>,
    } else {
    }
    return
  }
  func.func @transform_0(%arg0: i32, %arg1: memref<1x128xi32, #tpu.memory_space<smem>>) -> (i32, i32) {
    %get3A = arith.constant 0 : index
    %get3A_0 = arith.constant 127 : index
    %get3A_1 = memref.load %arg1[%get3A, %get3A_0] : memref<1x128xi32, #tpu.memory_space<smem>>
    %sub3A = arith.constant 1 : i32
    %sub3A_2 = arith.subi %get3A_1, %sub3A : i32
    %min3A = arith.minsi %arg0, %sub3A_2 : i32
    %c0_i32 = arith.constant 0 : i32
    %c0_i32_3 = arith.constant 0 : i32
    return %min3A, %c0_i32 : i32, i32
  }
  func.func @transform_1(%arg0: i32, %arg1: memref<1x128xi32, #tpu.memory_space<smem>>) -> (i32, i32, i32) {
    %get3A = arith.constant 0 : index
    %get3A_0 = arith.constant 127 : index
    %get3A_1 = memref.load %arg1[%get3A, %get3A_0] : memref<1x128xi32, #tpu.memory_space<smem>>
    %sub3A = arith.constant 1 : i32
    %sub3A_2 = arith.subi %get3A_1, %sub3A : i32
    %min3A = arith.minsi %arg0, %sub3A_2 : i32
    %c0_i32 = arith.constant 0 : i32
    %c0_i32_3 = arith.constant 0 : i32
    %c0_i32_4 = arith.constant 0 : i32
    return %min3A, %c0_i32, %c0_i32_3 : i32, i32, i32
  }
  func.func @transform_2(%arg0: i32, %arg1: memref<1x128xi32, #tpu.memory_space<smem>>) -> (i32, i32, i32) {
    %get3A = arith.constant 0 : index
    %get3A_0 = arith.index_cast %arg0 : i32 to index
    %get3A_1 = memref.load %arg1[%get3A, %get3A_0] : memref<1x128xi32, #tpu.memory_space<smem>>
    %c0_i32 = arith.constant 0 : i32
    %c0_i32_2 = arith.constant 0 : i32
    %c0_i32_3 = arith.constant 0 : i32
    return %get3A_1, %c0_i32, %c0_i32_2 : i32, i32, i32
  }
  func.func @transform_3(%arg0: i32, %arg1: memref<1x128xi32, #tpu.memory_space<smem>>) -> (i32, i32, i32) {
    %get3A = arith.constant 0 : index
    %get3A_0 = arith.index_cast %arg0 : i32 to index
    %get3A_1 = memref.load %arg1[%get3A, %get3A_0] : memref<1x128xi32, #tpu.memory_space<smem>>
    %c0_i32 = arith.constant 0 : i32
    %c0_i32_2 = arith.constant 0 : i32
    %c0_i32_3 = arith.constant 0 : i32
    return %get3A_1, %c0_i32, %c0_i32_2 : i32, i32, i32
  }
  func.func @transform_4(%arg0: i32, %arg1: memref<1x128xi32, #tpu.memory_space<smem>>) -> (i32, i32, i32) {
    %get3A = arith.constant 0 : index
    %get3A_0 = arith.index_cast %arg0 : i32 to index
    %get3A_1 = memref.load %arg1[%get3A, %get3A_0] : memref<1x128xi32, #tpu.memory_space<smem>>
    %c0_i32 = arith.constant 0 : i32
    %c0_i32_2 = arith.constant 0 : i32
    %c0_i32_3 = arith.constant 0 : i32
    return %get3A_1, %c0_i32, %c0_i32_2 : i32, i32, i32
  }
  func.func @transform_5(%arg0: i32, %arg1: memref<1x128xi32, #tpu.memory_space<smem>>) -> (i32, i32) {
    %get3A = arith.constant 0 : index
    %get3A_0 = arith.constant 127 : index
    %get3A_1 = memref.load %arg1[%get3A, %get3A_0] : memref<1x128xi32, #tpu.memory_space<smem>>
    %sub3A = arith.constant 1 : i32
    %sub3A_2 = arith.subi %get3A_1, %sub3A : i32
    %min3A = arith.minsi %arg0, %sub3A_2 : i32
    %c0_i32 = arith.constant 0 : i32
    %c0_i32_3 = arith.constant 0 : i32
    return %min3A, %c0_i32 : i32, i32
  }
}

module attributes {stable_mosaic.version = 14 : i64} {
  func.func @_gate_kernel(%arg0: memref<2048x1024xf32, #tpu.memory_space<vmem>>, %arg1: memref<8x1024xf32, #tpu.memory_space<vmem>>, %arg2: memref<4096x1xi32, #tpu.memory_space<vmem>>, %arg3: memref<4096x1xf32, #tpu.memory_space<vmem>>, %arg4: memref<1x128xi32, #tpu.memory_space<vmem>>, %arg5: memref<2048x512xi32, #tpu.memory_space<vmem>>) attributes {dimension_semantics = [], scalar_prefetch = 0 : i64, scratch_operands = 0 : i64, tpu.core_type = #tpu.core_type<tc>} {
    %get3A = arith.constant 0 : index
    %get3A_0 = arith.constant 0 : index
    %get3A_1 = vector.load %arg0[%get3A, %get3A_0] : memref<2048x1024xf32, #tpu.memory_space<vmem>>, vector<2048x1024xf32>
    %get3A_2 = arith.constant 0 : index
    %get3A_3 = arith.constant 0 : index
    %get3A_4 = vector.load %arg1[%get3A_2, %get3A_3] : memref<8x1024xf32, #tpu.memory_space<vmem>>, vector<8x1024xf32>
    %dot_general3A = arith.constant dense<0.000000e+00> : vector<2048x8xf32>
    %dot_general3A_5 = tpu.matmul %get3A_1, %get3A_4, %dot_general3A {dimension_numbers = #tpu.dot_dimension_numbers<[1], [1], [0], [0], [0, 0, 1, 0], [], []>, transpose_lhs_hint = false} : vector<2048x1024xf32>, vector<8x1024xf32>, vector<2048x8xf32> -> vector<2048x8xf32>
    %reduce_max3A = arith.constant dense<0xFF800000> : vector<2048xf32>
    %reduce_max3A_6 = vector.multi_reduction <maximumf>, %dot_general3A_5, %reduce_max3A [1] : vector<2048x8xf32> to vector<2048xf32>
    %broadcast_in_dim3A = vector.shape_cast %reduce_max3A_6 : vector<2048xf32> to vector<2048x1xf32>
    %sub3A = vector.broadcast %broadcast_in_dim3A : vector<2048x1xf32> to vector<2048x8xf32>
    %sub3A_7 = arith.subf %dot_general3A_5, %sub3A : vector<2048x8xf32>
    %exp3A = math.exp %sub3A_7 : vector<2048x8xf32>
    %reduce_sum3A = arith.constant dense<0.000000e+00> : vector<2048xf32>
    %reduce_sum3A_8 = vector.multi_reduction <add>, %exp3A, %reduce_sum3A [1] : vector<2048x8xf32> to vector<2048xf32>
    %broadcast_in_dim3A_9 = vector.shape_cast %reduce_sum3A_8 : vector<2048xf32> to vector<2048x1xf32>
    %div3A = vector.broadcast %broadcast_in_dim3A_9 : vector<2048x1xf32> to vector<2048x8xf32>
    %div3A_10 = arith.divf %exp3A, %div3A : vector<2048x8xf32>
    %iota3A = tpu.iota {dimensions = array<i32: 1>} : vector<2048x8xi32>
    %reduce_max3A_11 = arith.constant dense<0xFF800000> : vector<2048xf32>
    %reduce_max3A_12 = vector.multi_reduction <maximumf>, %div3A_10, %reduce_max3A_11 [1] : vector<2048x8xf32> to vector<2048xf32>
    %broadcast_in_dim3A_13 = vector.shape_cast %reduce_max3A_12 : vector<2048xf32> to vector<2048x1xf32>
    %ge3A = vector.broadcast %broadcast_in_dim3A_13 : vector<2048x1xf32> to vector<2048x8xf32>
    %ge3A_14 = arith.cmpf oge, %div3A_10, %ge3A : vector<2048x8xf32>
    %jit3A = arith.constant 8 : i32
    %broadcast_in_dim3A_15 = vector.broadcast %jit3A : i32 to vector<2048x8xi32>
    %select_n3A = arith.select %ge3A_14, %iota3A, %broadcast_in_dim3A_15 : vector<2048x8xi1>, vector<2048x8xi32>
    %reduce_min3A = arith.constant dense<2147483647> : vector<2048xi32>
    %reduce_min3A_16 = vector.multi_reduction <minsi>, %select_n3A, %reduce_min3A [1] : vector<2048x8xi32> to vector<2048xi32>
    %broadcast_in_dim3A_17 = vector.shape_cast %reduce_min3A_16 : vector<2048xi32> to vector<2048x1xi32>
    %eq3A = vector.broadcast %broadcast_in_dim3A_17 : vector<2048x1xi32> to vector<2048x8xi32>
    %eq3A_18 = arith.cmpi eq, %iota3A, %eq3A : vector<2048x8xi32>
    %jit3A_19 = arith.constant 0xFF800000 : f32
    %broadcast_in_dim3A_20 = vector.broadcast %jit3A_19 : f32 to vector<2048x8xf32>
    %select_n3A_21 = arith.select %eq3A_18, %broadcast_in_dim3A_20, %div3A_10 : vector<2048x8xi1>, vector<2048x8xf32>
    %reduce_max3A_22 = arith.constant dense<0xFF800000> : vector<2048xf32>
    %reduce_max3A_23 = vector.multi_reduction <maximumf>, %select_n3A_21, %reduce_max3A_22 [1] : vector<2048x8xf32> to vector<2048xf32>
    %broadcast_in_dim3A_24 = vector.shape_cast %reduce_max3A_23 : vector<2048xf32> to vector<2048x1xf32>
    %ge3A_25 = vector.broadcast %broadcast_in_dim3A_24 : vector<2048x1xf32> to vector<2048x8xf32>
    %ge3A_26 = arith.cmpf oge, %select_n3A_21, %ge3A_25 : vector<2048x8xf32>
    %jit3A_27 = arith.constant 8 : i32
    %broadcast_in_dim3A_28 = vector.broadcast %jit3A_27 : i32 to vector<2048x8xi32>
    %select_n3A_29 = arith.select %ge3A_26, %iota3A, %broadcast_in_dim3A_28 : vector<2048x8xi1>, vector<2048x8xi32>
    %reduce_min3A_30 = arith.constant dense<2147483647> : vector<2048xi32>
    %reduce_min3A_31 = vector.multi_reduction <minsi>, %select_n3A_29, %reduce_min3A_30 [1] : vector<2048x8xi32> to vector<2048xi32>
    %broadcast_in_dim3A_32 = vector.shape_cast %reduce_min3A_31 : vector<2048xi32> to vector<2048x1xi32>
    %add3A = arith.addf %broadcast_in_dim3A_13, %broadcast_in_dim3A_24 : vector<2048x1xf32>
    %add3A_33 = arith.constant 9.99999968E-21 : f32
    %add3A_34 = vector.broadcast %add3A_33 : f32 to vector<2048x1xf32>
    %add3A_35 = arith.addf %add3A, %add3A_34 : vector<2048x1xf32>
    %div3A_36 = arith.divf %broadcast_in_dim3A_13, %add3A_35 : vector<2048x1xf32>
    %div3A_37 = arith.divf %broadcast_in_dim3A_24, %add3A_35 : vector<2048x1xf32>
    %eq3A_38 = vector.broadcast %broadcast_in_dim3A_17 : vector<2048x1xi32> to vector<2048x8xi32>
    %eq3A_39 = arith.cmpi eq, %iota3A, %eq3A_38 : vector<2048x8xi32>
    %convert_element_type3A = arith.extui %eq3A_39 : vector<2048x8xi1> to vector<2048x8xi32>
    %convert_element_type3A_40 = arith.sitofp %convert_element_type3A : vector<2048x8xi32> to vector<2048x8xf32>
    %eq3A_41 = vector.broadcast %broadcast_in_dim3A_32 : vector<2048x1xi32> to vector<2048x8xi32>
    %eq3A_42 = arith.cmpi eq, %iota3A, %eq3A_41 : vector<2048x8xi32>
    %convert_element_type3A_43 = arith.extui %eq3A_42 : vector<2048x8xi1> to vector<2048x8xi32>
    %convert_element_type3A_44 = arith.sitofp %convert_element_type3A_43 : vector<2048x8xi32> to vector<2048x8xf32>
    %concatenate3A = tpu.concatenate %convert_element_type3A_40, %convert_element_type3A_44 in 0 : vector<2048x8xf32>, vector<2048x8xf32> -> vector<4096x8xf32>
    %iota3A_45 = tpu.iota {dimensions = array<i32: 0>} : vector<512x512xi32>
    %iota3A_46 = tpu.iota {dimensions = array<i32: 1>} : vector<512x512xi32>
    %lt3A = arith.cmpi slt, %iota3A_46, %iota3A_45 : vector<512x512xi32>
    %convert_element_type3A_47 = arith.extui %lt3A : vector<512x512xi1> to vector<512x512xi32>
    %convert_element_type3A_48 = arith.sitofp %convert_element_type3A_47 : vector<512x512xi32> to vector<512x512xf32>
    %convert_element_type3A_49 = arith.truncf %convert_element_type3A_48 : vector<512x512xf32> to vector<512x512xbf16>
    %broadcast_in_dim3A_50 = arith.constant 0.000000e+00 : f32
    %broadcast_in_dim3A_51 = vector.broadcast %broadcast_in_dim3A_50 : f32 to vector<1x8xf32>
    %slice3A = vector.extract_strided_slice %concatenate3A {offsets = [0, 0], sizes = [512, 8], strides = [1, 1]} : vector<4096x8xf32> to vector<512x8xf32>
    %convert_element_type3A_52 = arith.truncf %slice3A : vector<512x8xf32> to vector<512x8xbf16>
    %dot_general3A_53 = arith.constant dense<0.000000e+00> : vector<512x8xf32>
    %dot_general3A_54 = tpu.matmul %convert_element_type3A_49, %convert_element_type3A_52, %dot_general3A_53 {dimension_numbers = #tpu.dot_dimension_numbers<[1], [0], [0], [1], [0, 0, 1, 1], [], []>, transpose_lhs_hint = false} : vector<512x512xbf16>, vector<512x8xbf16>, vector<512x8xf32> -> vector<512x8xf32>
    %add3A_55 = vector.broadcast %broadcast_in_dim3A_51 : vector<1x8xf32> to vector<512x8xf32>
    %add3A_56 = arith.addf %dot_general3A_54, %add3A_55 : vector<512x8xf32>
    %reduce_sum3A_57 = arith.constant dense<0.000000e+00> : vector<8xf32>
    %reduce_sum3A_58 = vector.multi_reduction <add>, %slice3A, %reduce_sum3A_57 [0] : vector<512x8xf32> to vector<8xf32>
    %broadcast_in_dim3A_59 = vector.shape_cast %reduce_sum3A_58 : vector<8xf32> to vector<1x8xf32>
    %add3A_60 = arith.addf %broadcast_in_dim3A_51, %broadcast_in_dim3A_59 : vector<1x8xf32>
    %slice3A_61 = vector.extract_strided_slice %concatenate3A {offsets = [512, 0], sizes = [512, 8], strides = [1, 1]} : vector<4096x8xf32> to vector<512x8xf32>
    %convert_element_type3A_62 = arith.truncf %slice3A_61 : vector<512x8xf32> to vector<512x8xbf16>
    %dot_general3A_63 = arith.constant dense<0.000000e+00> : vector<512x8xf32>
    %dot_general3A_64 = tpu.matmul %convert_element_type3A_49, %convert_element_type3A_62, %dot_general3A_63 {dimension_numbers = #tpu.dot_dimension_numbers<[1], [0], [0], [1], [0, 0, 1, 1], [], []>, transpose_lhs_hint = false} : vector<512x512xbf16>, vector<512x8xbf16>, vector<512x8xf32> -> vector<512x8xf32>
    %add3A_65 = vector.broadcast %add3A_60 : vector<1x8xf32> to vector<512x8xf32>
    %add3A_66 = arith.addf %dot_general3A_64, %add3A_65 : vector<512x8xf32>
    %reduce_sum3A_67 = arith.constant dense<0.000000e+00> : vector<8xf32>
    %reduce_sum3A_68 = vector.multi_reduction <add>, %slice3A_61, %reduce_sum3A_67 [0] : vector<512x8xf32> to vector<8xf32>
    %broadcast_in_dim3A_69 = vector.shape_cast %reduce_sum3A_68 : vector<8xf32> to vector<1x8xf32>
    %add3A_70 = arith.addf %add3A_60, %broadcast_in_dim3A_69 : vector<1x8xf32>
    %slice3A_71 = vector.extract_strided_slice %concatenate3A {offsets = [1024, 0], sizes = [512, 8], strides = [1, 1]} : vector<4096x8xf32> to vector<512x8xf32>
    %convert_element_type3A_72 = arith.truncf %slice3A_71 : vector<512x8xf32> to vector<512x8xbf16>
    %dot_general3A_73 = arith.constant dense<0.000000e+00> : vector<512x8xf32>
    %dot_general3A_74 = tpu.matmul %convert_element_type3A_49, %convert_element_type3A_72, %dot_general3A_73 {dimension_numbers = #tpu.dot_dimension_numbers<[1], [0], [0], [1], [0, 0, 1, 1], [], []>, transpose_lhs_hint = false} : vector<512x512xbf16>, vector<512x8xbf16>, vector<512x8xf32> -> vector<512x8xf32>
    %add3A_75 = vector.broadcast %add3A_70 : vector<1x8xf32> to vector<512x8xf32>
    %add3A_76 = arith.addf %dot_general3A_74, %add3A_75 : vector<512x8xf32>
    %reduce_sum3A_77 = arith.constant dense<0.000000e+00> : vector<8xf32>
    %reduce_sum3A_78 = vector.multi_reduction <add>, %slice3A_71, %reduce_sum3A_77 [0] : vector<512x8xf32> to vector<8xf32>
    %broadcast_in_dim3A_79 = vector.shape_cast %reduce_sum3A_78 : vector<8xf32> to vector<1x8xf32>
    %add3A_80 = arith.addf %add3A_70, %broadcast_in_dim3A_79 : vector<1x8xf32>
    %slice3A_81 = vector.extract_strided_slice %concatenate3A {offsets = [1536, 0], sizes = [512, 8], strides = [1, 1]} : vector<4096x8xf32> to vector<512x8xf32>
    %convert_element_type3A_82 = arith.truncf %slice3A_81 : vector<512x8xf32> to vector<512x8xbf16>
    %dot_general3A_83 = arith.constant dense<0.000000e+00> : vector<512x8xf32>
    %dot_general3A_84 = tpu.matmul %convert_element_type3A_49, %convert_element_type3A_82, %dot_general3A_83 {dimension_numbers = #tpu.dot_dimension_numbers<[1], [0], [0], [1], [0, 0, 1, 1], [], []>, transpose_lhs_hint = false} : vector<512x512xbf16>, vector<512x8xbf16>, vector<512x8xf32> -> vector<512x8xf32>
    %add3A_85 = vector.broadcast %add3A_80 : vector<1x8xf32> to vector<512x8xf32>
    %add3A_86 = arith.addf %dot_general3A_84, %add3A_85 : vector<512x8xf32>
    %reduce_sum3A_87 = arith.constant dense<0.000000e+00> : vector<8xf32>
    %reduce_sum3A_88 = vector.multi_reduction <add>, %slice3A_81, %reduce_sum3A_87 [0] : vector<512x8xf32> to vector<8xf32>
    %broadcast_in_dim3A_89 = vector.shape_cast %reduce_sum3A_88 : vector<8xf32> to vector<1x8xf32>
    %add3A_90 = arith.addf %add3A_80, %broadcast_in_dim3A_89 : vector<1x8xf32>
    %slice3A_91 = vector.extract_strided_slice %concatenate3A {offsets = [2048, 0], sizes = [512, 8], strides = [1, 1]} : vector<4096x8xf32> to vector<512x8xf32>
    %convert_element_type3A_92 = arith.truncf %slice3A_91 : vector<512x8xf32> to vector<512x8xbf16>
    %dot_general3A_93 = arith.constant dense<0.000000e+00> : vector<512x8xf32>
    %dot_general3A_94 = tpu.matmul %convert_element_type3A_49, %convert_element_type3A_92, %dot_general3A_93 {dimension_numbers = #tpu.dot_dimension_numbers<[1], [0], [0], [1], [0, 0, 1, 1], [], []>, transpose_lhs_hint = false} : vector<512x512xbf16>, vector<512x8xbf16>, vector<512x8xf32> -> vector<512x8xf32>
    %add3A_95 = vector.broadcast %add3A_90 : vector<1x8xf32> to vector<512x8xf32>
    %add3A_96 = arith.addf %dot_general3A_94, %add3A_95 : vector<512x8xf32>
    %reduce_sum3A_97 = arith.constant dense<0.000000e+00> : vector<8xf32>
    %reduce_sum3A_98 = vector.multi_reduction <add>, %slice3A_91, %reduce_sum3A_97 [0] : vector<512x8xf32> to vector<8xf32>
    %broadcast_in_dim3A_99 = vector.shape_cast %reduce_sum3A_98 : vector<8xf32> to vector<1x8xf32>
    %add3A_100 = arith.addf %add3A_90, %broadcast_in_dim3A_99 : vector<1x8xf32>
    %slice3A_101 = vector.extract_strided_slice %concatenate3A {offsets = [2560, 0], sizes = [512, 8], strides = [1, 1]} : vector<4096x8xf32> to vector<512x8xf32>
    %convert_element_type3A_102 = arith.truncf %slice3A_101 : vector<512x8xf32> to vector<512x8xbf16>
    %dot_general3A_103 = arith.constant dense<0.000000e+00> : vector<512x8xf32>
    %dot_general3A_104 = tpu.matmul %convert_element_type3A_49, %convert_element_type3A_102, %dot_general3A_103 {dimension_numbers = #tpu.dot_dimension_numbers<[1], [0], [0], [1], [0, 0, 1, 1], [], []>, transpose_lhs_hint = false} : vector<512x512xbf16>, vector<512x8xbf16>, vector<512x8xf32> -> vector<512x8xf32>
    %add3A_105 = vector.broadcast %add3A_100 : vector<1x8xf32> to vector<512x8xf32>
    %add3A_106 = arith.addf %dot_general3A_104, %add3A_105 : vector<512x8xf32>
    %reduce_sum3A_107 = arith.constant dense<0.000000e+00> : vector<8xf32>
    %reduce_sum3A_108 = vector.multi_reduction <add>, %slice3A_101, %reduce_sum3A_107 [0] : vector<512x8xf32> to vector<8xf32>
    %broadcast_in_dim3A_109 = vector.shape_cast %reduce_sum3A_108 : vector<8xf32> to vector<1x8xf32>
    %add3A_110 = arith.addf %add3A_100, %broadcast_in_dim3A_109 : vector<1x8xf32>
    %slice3A_111 = vector.extract_strided_slice %concatenate3A {offsets = [3072, 0], sizes = [512, 8], strides = [1, 1]} : vector<4096x8xf32> to vector<512x8xf32>
    %convert_element_type3A_112 = arith.truncf %slice3A_111 : vector<512x8xf32> to vector<512x8xbf16>
    %dot_general3A_113 = arith.constant dense<0.000000e+00> : vector<512x8xf32>
    %dot_general3A_114 = tpu.matmul %convert_element_type3A_49, %convert_element_type3A_112, %dot_general3A_113 {dimension_numbers = #tpu.dot_dimension_numbers<[1], [0], [0], [1], [0, 0, 1, 1], [], []>, transpose_lhs_hint = false} : vector<512x512xbf16>, vector<512x8xbf16>, vector<512x8xf32> -> vector<512x8xf32>
    %add3A_115 = vector.broadcast %add3A_110 : vector<1x8xf32> to vector<512x8xf32>
    %add3A_116 = arith.addf %dot_general3A_114, %add3A_115 : vector<512x8xf32>
    %reduce_sum3A_117 = arith.constant dense<0.000000e+00> : vector<8xf32>
    %reduce_sum3A_118 = vector.multi_reduction <add>, %slice3A_111, %reduce_sum3A_117 [0] : vector<512x8xf32> to vector<8xf32>
    %broadcast_in_dim3A_119 = vector.shape_cast %reduce_sum3A_118 : vector<8xf32> to vector<1x8xf32>
    %add3A_120 = arith.addf %add3A_110, %broadcast_in_dim3A_119 : vector<1x8xf32>
    %slice3A_121 = vector.extract_strided_slice %concatenate3A {offsets = [3584, 0], sizes = [512, 8], strides = [1, 1]} : vector<4096x8xf32> to vector<512x8xf32>
    %convert_element_type3A_122 = arith.truncf %slice3A_121 : vector<512x8xf32> to vector<512x8xbf16>
    %dot_general3A_123 = arith.constant dense<0.000000e+00> : vector<512x8xf32>
    %dot_general3A_124 = tpu.matmul %convert_element_type3A_49, %convert_element_type3A_122, %dot_general3A_123 {dimension_numbers = #tpu.dot_dimension_numbers<[1], [0], [0], [1], [0, 0, 1, 1], [], []>, transpose_lhs_hint = false} : vector<512x512xbf16>, vector<512x8xbf16>, vector<512x8xf32> -> vector<512x8xf32>
    %add3A_125 = vector.broadcast %add3A_120 : vector<1x8xf32> to vector<512x8xf32>
    %add3A_126 = arith.addf %dot_general3A_124, %add3A_125 : vector<512x8xf32>
    %reduce_sum3A_127 = arith.constant dense<0.000000e+00> : vector<8xf32>
    %reduce_sum3A_128 = vector.multi_reduction <add>, %slice3A_121, %reduce_sum3A_127 [0] : vector<512x8xf32> to vector<8xf32>
    %broadcast_in_dim3A_129 = vector.shape_cast %reduce_sum3A_128 : vector<8xf32> to vector<1x8xf32>
    %add3A_130 = arith.addf %add3A_120, %broadcast_in_dim3A_129 : vector<1x8xf32>
    %concatenate3A_131 = tpu.concatenate %add3A_56, %add3A_66, %add3A_76, %add3A_86, %add3A_96, %add3A_106, %add3A_116, %add3A_126 in 0 : vector<512x8xf32>, vector<512x8xf32>, vector<512x8xf32>, vector<512x8xf32>, vector<512x8xf32>, vector<512x8xf32>, vector<512x8xf32>, vector<512x8xf32> -> vector<4096x8xf32>
    %add3A_132 = arith.constant 5.110000e+02 : f32
    %add3A_133 = vector.broadcast %add3A_132 : f32 to vector<1x8xf32>
    %add3A_134 = arith.addf %add3A_130, %add3A_133 : vector<1x8xf32>
    %div3A_135 = arith.constant 5.120000e+02 : f32
    %div3A_136 = vector.broadcast %div3A_135 : f32 to vector<1x8xf32>
    %div3A_137 = arith.divf %add3A_134, %div3A_136 : vector<1x8xf32>
    %floor3A = math.floor %div3A_137 : vector<1x8xf32>
    %iota3A_138 = tpu.iota {dimensions = array<i32: 0>} : vector<8x8xi32>
    %iota3A_139 = tpu.iota {dimensions = array<i32: 1>} : vector<8x8xi32>
    %lt3A_140 = arith.cmpi slt, %iota3A_138, %iota3A_139 : vector<8x8xi32>
    %convert_element_type3A_141 = arith.extui %lt3A_140 : vector<8x8xi1> to vector<8x8xi32>
    %convert_element_type3A_142 = arith.sitofp %convert_element_type3A_141 : vector<8x8xi32> to vector<8x8xf32>
    %dot_general3A_143 = arith.constant dense<0.000000e+00> : vector<1x8xf32>
    %dot_general3A_144 = tpu.matmul %floor3A, %convert_element_type3A_142, %dot_general3A_143 {dimension_numbers = #tpu.dot_dimension_numbers<[1], [0], [0], [1], [0, 0, 1, 1], [], []>, transpose_lhs_hint = false} : vector<1x8xf32>, vector<8x8xf32>, vector<1x8xf32> -> vector<1x8xf32>
    %mul3A = arith.constant 5.120000e+02 : f32
    %mul3A_145 = vector.broadcast %mul3A : f32 to vector<1x8xf32>
    %mul3A_146 = arith.mulf %dot_general3A_144, %mul3A_145 : vector<1x8xf32>
    %mul3A_147 = arith.mulf %concatenate3A_131, %concatenate3A : vector<4096x8xf32>
    %reduce_sum3A_148 = arith.constant dense<0.000000e+00> : vector<4096xf32>
    %reduce_sum3A_149 = vector.multi_reduction <add>, %mul3A_147, %reduce_sum3A_148 [1] : vector<4096x8xf32> to vector<4096xf32>
    %broadcast_in_dim3A_150 = vector.shape_cast %reduce_sum3A_149 : vector<4096xf32> to vector<4096x1xf32>
    %mul3A_151 = vector.broadcast %mul3A_146 : vector<1x8xf32> to vector<4096x8xf32>
    %mul3A_152 = arith.mulf %mul3A_151, %concatenate3A : vector<4096x8xf32>
    %reduce_sum3A_153 = arith.constant dense<0.000000e+00> : vector<4096xf32>
    %reduce_sum3A_154 = vector.multi_reduction <add>, %mul3A_152, %reduce_sum3A_153 [1] : vector<4096x8xf32> to vector<4096xf32>
    %broadcast_in_dim3A_155 = vector.shape_cast %reduce_sum3A_154 : vector<4096xf32> to vector<4096x1xf32>
    %add3A_156 = arith.addf %broadcast_in_dim3A_150, %broadcast_in_dim3A_155 : vector<4096x1xf32>
    %convert_element_type3A_157 = arith.fptosi %add3A_156 : vector<4096x1xf32> to vector<4096x1xi32>
    %swap3A = arith.constant 0 : index
    %swap3A_158 = arith.constant 0 : index
    %swap3A_159 = vector.load %arg2[%swap3A, %swap3A_158] : memref<4096x1xi32, #tpu.memory_space<vmem>>, vector<4096x1xi32>
    tpu.vector_store %arg2[%swap3A, %swap3A_158], %convert_element_type3A_157 {strides = array<i32>} : memref<4096x1xi32, #tpu.memory_space<vmem>>, vector<4096x1xi32>,
    %concatenate3A_160 = tpu.concatenate %div3A_36, %div3A_37 in 0 : vector<2048x1xf32>, vector<2048x1xf32> -> vector<4096x1xf32>
    %swap3A_161 = arith.constant 0 : index
    %swap3A_162 = arith.constant 0 : index
    %swap3A_163 = vector.load %arg3[%swap3A_161, %swap3A_162] : memref<4096x1xf32, #tpu.memory_space<vmem>>, vector<4096x1xf32>
    tpu.vector_store %arg3[%swap3A_161, %swap3A_162], %concatenate3A_160 {strides = array<i32>} : memref<4096x1xf32, #tpu.memory_space<vmem>>, vector<4096x1xf32>,
    %broadcast_in_dim3A_164 = vector.shape_cast %floor3A : vector<1x8xf32> to vector<1x8xf32>
    %broadcast_in_dim3A_165 = vector.broadcast %broadcast_in_dim3A_164 : vector<1x8xf32> to vector<8x8xf32>
    %le3A = arith.cmpi sle, %iota3A_139, %iota3A_138 : vector<8x8xi32>
    %jit3A_166 = arith.constant 0.000000e+00 : f32
    %broadcast_in_dim3A_167 = vector.broadcast %jit3A_166 : f32 to vector<8x8xf32>
    %select_n3A_168 = arith.select %le3A, %broadcast_in_dim3A_165, %broadcast_in_dim3A_167 : vector<8x8xi1>, vector<8x8xf32>
    %reduce_sum3A_169 = arith.constant dense<0.000000e+00> : vector<8xf32>
    %reduce_sum3A_170 = vector.multi_reduction <add>, %select_n3A_168, %reduce_sum3A_169 [1] : vector<8x8xf32> to vector<8xf32>
    %broadcast_in_dim3A_171 = vector.shape_cast %reduce_sum3A_170 : vector<8xf32> to vector<8x1xf32>
    %iota3A_172 = tpu.iota {dimensions = array<i32: 1>} : vector<8x128xi32>
    %convert_element_type3A_173 = arith.fptosi %broadcast_in_dim3A_171 : vector<8x1xf32> to vector<8x1xi32>
    %ge3A_174 = vector.broadcast %convert_element_type3A_173 : vector<8x1xi32> to vector<8x128xi32>
    %ge3A_175 = arith.cmpi sge, %iota3A_172, %ge3A_174 : vector<8x128xi32>
    %convert_element_type3A_176 = arith.extui %ge3A_175 : vector<8x128xi1> to vector<8x128xi32>
    %convert_element_type3A_177 = arith.sitofp %convert_element_type3A_176 : vector<8x128xi32> to vector<8x128xf32>
    %reduce_sum3A_178 = arith.constant dense<0.000000e+00> : vector<128xf32>
    %reduce_sum3A_179 = vector.multi_reduction <add>, %convert_element_type3A_177, %reduce_sum3A_178 [0] : vector<8x128xf32> to vector<128xf32>
    %broadcast_in_dim3A_180 = vector.shape_cast %reduce_sum3A_179 : vector<128xf32> to vector<1x128xf32>
    %min3A = arith.constant 7.000000e+00 : f32
    %min3A_181 = vector.broadcast %min3A : f32 to vector<1x128xf32>
    %min3A_182 = arith.minimumf %broadcast_in_dim3A_180, %min3A_181 : vector<1x128xf32>
    %reduce_sum3A_183 = vector.shape_cast %floor3A : vector<1x8xf32> to vector<1x1x8xf32>
    %reduce_sum3A_184 = arith.constant dense<0.000000e+00> : vector<1xf32>
    %reduce_sum3A_185 = vector.multi_reduction <add>, %reduce_sum3A_183, %reduce_sum3A_184 [1, 2] : vector<1x1x8xf32> to vector<1xf32>
    %reduce_sum3A_186 = vector.shape_cast %reduce_sum3A_185 : vector<1xf32> to vector<1x1x1xf32>
    %reduce_sum3A_187 = vector.extract %reduce_sum3A_186[0, 0, 0] : f32 from vector<1x1x1xf32>
    %iota3A_188 = tpu.iota {dimensions = array<i32: 1>} : vector<1x128xi32>
    %eq3A_189 = arith.constant 127 : i32
    %eq3A_190 = vector.broadcast %eq3A_189 : i32 to vector<1x128xi32>
    %eq3A_191 = arith.cmpi eq, %iota3A_188, %eq3A_190 : vector<1x128xi32>
    %broadcast_in_dim3A_192 = vector.broadcast %reduce_sum3A_187 : f32 to vector<1x128xf32>
    %select_n3A_193 = arith.select %eq3A_191, %broadcast_in_dim3A_192, %min3A_182 : vector<1x128xi1>, vector<1x128xf32>
    %convert_element_type3A_194 = arith.fptosi %select_n3A_193 : vector<1x128xf32> to vector<1x128xi32>
    %swap3A_195 = arith.constant 0 : index
    %swap3A_196 = arith.constant 0 : index
    %swap3A_197 = vector.load %arg4[%swap3A_195, %swap3A_196] : memref<1x128xi32, #tpu.memory_space<vmem>>, vector<1x128xi32>
    tpu.vector_store %arg4[%swap3A_195, %swap3A_196], %convert_element_type3A_194 {strides = array<i32>} : memref<1x128xi32, #tpu.memory_space<vmem>>, vector<1x128xi32>,
    %convert_element_type3A_198 = arith.truncf %get3A_1 : vector<2048x1024xf32> to vector<2048x1024xbf16>
    %reshape3A = vector.shape_cast %convert_element_type3A_198 : vector<2048x1024xbf16> to vector<4096x512xbf16>
    %bitcast3A = tpu.bitcast %reshape3A : vector<4096x512xbf16> -> vector<2048x512xi32>
    %swap3A_199 = arith.constant 0 : index
    %swap3A_200 = arith.constant 0 : index
    %swap3A_201 = vector.load %arg5[%swap3A_199, %swap3A_200] : memref<2048x512xi32, #tpu.memory_space<vmem>>, vector<2048x512xi32>
    tpu.vector_store %arg5[%swap3A_199, %swap3A_200], %bitcast3A {strides = array<i32>} : memref<2048x512xi32, #tpu.memory_space<vmem>>, vector<2048x512xi32>,
    return
  }
}

module attributes {stable_mosaic.version = 14 : i64} {
  func.func @_add_kernel(%arg0: i32, %arg1: memref<1x512x512xi32, #tpu.memory_space<vmem>>, %arg2: memref<1x512x512xi32, #tpu.memory_space<vmem>>, %arg3: memref<512x1024xf32, #tpu.memory_space<vmem>>) attributes {dimension_semantics = [#tpu.dimension_semantics<arbitrary>], iteration_bounds = array<i64: 4>, scalar_prefetch = 0 : i64, scratch_operands = 0 : i64, tpu.core_type = #tpu.core_type<tc>, window_params = [{transform_indices = @transform_0, window_bounds = array<i64: 1, 512, 512>}, {transform_indices = @transform_1, window_bounds = array<i64: 1, 512, 512>}, {transform_indices = @transform_2, window_bounds = array<i64: 512, 1024>}]} {
    %get3A = arith.constant 0 : index
    %get3A_0 = arith.constant 0 : index
    %get3A_1 = arith.constant 0 : index
    %get3A_2 = vector.load %arg1[%get3A, %get3A_0, %get3A_1] : memref<1x512x512xi32, #tpu.memory_space<vmem>>, vector<1x512x512xi32>
    %get3A_3 = vector.shape_cast %get3A_2 : vector<1x512x512xi32> to vector<512x512xi32>
    %bitcast3A = tpu.bitcast %get3A_3 : vector<512x512xi32> -> vector<1024x512xbf16>
    %reshape3A = vector.shape_cast %bitcast3A : vector<1024x512xbf16> to vector<512x1024xbf16>
    %get3A_4 = arith.constant 0 : index
    %get3A_5 = arith.constant 0 : index
    %get3A_6 = arith.constant 0 : index
    %get3A_7 = vector.load %arg2[%get3A_4, %get3A_5, %get3A_6] : memref<1x512x512xi32, #tpu.memory_space<vmem>>, vector<1x512x512xi32>
    %get3A_8 = vector.shape_cast %get3A_7 : vector<1x512x512xi32> to vector<512x512xi32>
    %bitcast3A_9 = tpu.bitcast %get3A_8 : vector<512x512xi32> -> vector<1024x512xbf16>
    %reshape3A_10 = vector.shape_cast %bitcast3A_9 : vector<1024x512xbf16> to vector<512x1024xbf16>
    %convert_element_type3A = arith.extf %reshape3A : vector<512x1024xbf16> to vector<512x1024xf32>
    %convert_element_type3A_11 = arith.extf %reshape3A_10 : vector<512x1024xbf16> to vector<512x1024xf32>
    %add3A = arith.addf %convert_element_type3A, %convert_element_type3A_11 : vector<512x1024xf32>
    %swap3A = arith.constant 0 : index
    %swap3A_12 = arith.constant 0 : index
    %swap3A_13 = vector.load %arg3[%swap3A, %swap3A_12] : memref<512x1024xf32, #tpu.memory_space<vmem>>, vector<512x1024xf32>
    tpu.vector_store %arg3[%swap3A, %swap3A_12], %add3A {strides = array<i32>} : memref<512x1024xf32, #tpu.memory_space<vmem>>, vector<512x1024xf32>,
    return
  }
  func.func @transform_0(%arg0: i32) -> (i32, i32, i32) {
    %c0_i32 = arith.constant 0 : i32
    %c0_i32_0 = arith.constant 0 : i32
    %c0_i32_1 = arith.constant 0 : i32
    return %c0_i32, %arg0, %c0_i32_0 : i32, i32, i32
  }
  func.func @transform_1(%arg0: i32) -> (i32, i32, i32) {
    %c1_i32 = arith.constant 1 : i32
    %c0_i32 = arith.constant 0 : i32
    %c0_i32_0 = arith.constant 0 : i32
    return %c1_i32, %arg0, %c0_i32 : i32, i32, i32
  }
  func.func @transform_2(%arg0: i32) -> (i32, i32) {
    %c0_i32 = arith.constant 0 : i32
    %c0_i32_0 = arith.constant 0 : i32
    return %arg0, %c0_i32 : i32, i32
  }
}

</mosaic_0001>

<sc_bundles>
// kernel: kernel.10.cloned.1.call-start
scs
__scs_entry_jumppad:
0x0: {  	(pc) =	sbr.rel $0x88, $3  }
0x1: {  	(tag) =	ssettag $0x0;
	lr =	simm.s32 $0x1  }
0x2: {  	[smem:$0x3F9C] =	sst lr;
	_ =	strace $0xD0000000  }
0x3: {  	_ = 	snop  }
0x4: {  	_ = 	snop  }
0x5: {  	_ = 	snop  }
0x6: {  	_ = 	snop  }
0x7: {  	_ = 	snop  }
__scs_overlays_trampoline_lowered:
0x8: {  	[smem:$0x3FAB] =	sst s0  }
0x9: {  	[smem:$0x3FAC] =	sst s1  }
0xa: {  	[smem:$0x3FAD] =	sst s2  }
0xb: {  	[smem:$0x3FAE] =	sst s3  }
0xc: {  	[smem:$0x3FAF] =	sst s4  }
0xd: {  	[smem:$0x3FB0] =	sst s5  }
0xe: {  	[smem:$0x3FB1] =	sst s6  }
0xf: {  	[smem:$0x3FB2] =	sst s7  }
0x10: {  	[smem:$0x3FB3] =	sst s8  }
0x11: {  	[smem:$0x3FB4] =	sst s9;
	s0 =	simm.s32 @!p0 $0x0  }
0x12: {  	s1 =	sld [smem:$0x3F9A];
	s0 =	simm.s32 @p0 $0x1  }
0x13: {  	[smem:$0x3FB5] =	sst s0;
	s0 =	simm.s32 @!p1 $0x0  }
0x14: {  	s2 =	sld [smem:$0x3F99];
	s0 =	simm.s32 @p1 $0x1  }
0x15: {  	[smem:$0x3FB6] =	sst s0;
	s0 =	simm.s32 @!p2 $0x0  }
0x16: {  	s3 =	sld [smem:$0x3FDB];
	s0 =	simm.s32 @p2 $0x1  }
0x17: {  	s4 =	simm.s32 $0x1BF5;
	[smem:$0x3FB8] =	sst s0  }
0x18: {  	s0 =	sld [smem:$0x3F9B];
	_ =	swait.ge [sflag:s4], $0x0  }
0x19: {  	s7 =	sld [smem:$0x3F9C]  }
0x1a: {  	s8 =	sadd.s32 $0xFFFFE003, lr  }
0x1b: {  	s9 =	sadd.s32 $0xFFFFFEF7, lr;
	s5 =	simm.s32 $0xFFFFFFFF;
	p2 =	slt.u32 s8, $0xFFFFF086  }
0x1c: {  	p1 =	slt.u32 s9, $0xF7A;
	s5 =	simm.s32 @!p2 $0x0  }
0x1d: {  	s5 =	simm.s32 @p1 $0x1;
	p0 =	seq.s32 s7, s2  }
0x1e: {  	s7 =	smul.u32 @!p0 $0xF7A, s2;
	p2 =	seq.s32 @!p0 s5, $0x0  }
0x1f: {  	s9 =	smul.u32 $0xF7A, s1;
	s8 =	simm.s32 @!p0 $0x1BF5;
	p2 =	por !p2, p0  }
0x20: {  	[sflag:s8] =	ssyncset.s32 @!p0 $0xFFFFF086;
	s6 =	sadd.s32 @!p0 s3, s7;
	s7 =	simm.s32 @!p0 $0x108  }
0x21: {  	s3 =	sadd.s32 s3, s9;
	s6 =	sadd.s32 @!p0 $0x88, s6;
	s7 =	simm.s32 @p2 $0x1082  }
0x22: {  	[simem:s7], [sflag:s8] =	dma.local @!p0 [hbm:s6], $0xF7A  }
0x23: {  	s9 =	sor.u32 $0xD0000000, s2;
	s6 =	simm.s32 $0x108;
	_ =	swait.ge @!p0 [sflag:s8], $0x0  }
0x24: {  	s3 =	sadd.s32 $0x88, s3;
	s6 =	simm.s32 @!p1 $0x1082;
	[sflag:s4] =	ssyncset.s32 $0xFFFFF086  }
0x25: {  	[simem:s6], [sflag:s4] =	dma.local [hbm:s3], $0xF7A  }
0x26: {  	[smem:$0x3F9C] =	sst s1;
	(tag) =	ssettag s2;
	_ =	strace s9  }
0x27: {  	s1 =	sld [smem:$0x3FAC]  }
0x28: {  	s2 =	sld [smem:$0x3FAD]  }
0x29: {  	s4 =	sld [smem:$0x3FAF]  }
0x2a: {  	p0 =	seq.s32 s5, $0x0;
	s5 =	sld [smem:$0x3FB0]  }
0x2b: {  	s6 =	sld [smem:$0x3FB1]  }
0x2c: {  	s7 =	sld [smem:$0x3FB2]  }
0x2d: {  	s3 =	simm.s32 $0x108;
	s8 =	sld [smem:$0x3FB3]  }
0x2e: {  	s3 =	simm.s32 @!p0 $0x1082;
	s9 =	sld [smem:$0x3FB4]  }
0x2f: {  	lr =	sadd.s32 s0, s3;
	s0 =	sld [smem:$0x3FAB]  }
0x30: {  	s3 =	sld [smem:$0x3FAE]  }
0x31: {  	[smem:$0x3FB7] =	sst s10  }
0x32: {  	s10 =	sld [smem:$0x3FB5];
	_ =	sdelay $0x3  }
0x33: {  	p0 =	seq.s32 s10, $0x1;
	s10 =	sld [smem:$0x3FB7];
	_ =	sdelay $0x3  }
0x34: {  	[smem:$0x3FB7] =	sst s10  }
0x35: {  	s10 =	sld [smem:$0x3FB6];
	_ =	sdelay $0x3  }
0x36: {  	p1 =	seq.s32 s10, $0x1;
	s10 =	sld [smem:$0x3FB7];
	_ =	sdelay $0x3  }
0x37: {  	[smem:$0x3FB7] =	sst s10  }
0x38: {  	s10 =	sld [smem:$0x3FB8]  }
0x39: {  	_ = 	snop;
	(pc) =	sbr.ind lr, $3  }
0x3a: {  	_ = 	snop  }
0x3b: {  	_ = 	snop  }
0x3c: {  	p2 =	seq.s32 s10, $0x1;
	s10 =	sld [smem:$0x3FB7]  }
0x3d: {  	_ =	shalt  }
0x3e: {  	_ =	shalt  }
0x3f: {  	_ =	shalt  }
0x40: {  	_ =	shalt  }
0x41: {  	_ =	shalt  }
0x42: {  	_ =	shalt  }
0x43: {  	_ =	shalt  }
0x44: {  	_ =	shalt  }
0x45: {  	_ =	shalt  }
0x46: {  	_ =	shalt  }
0x47: {  	_ =	shalt  }
0x48: {  	_ =	shalt  }
0x49: {  	_ =	shalt  }
0x4a: {  	_ =	shalt  }
0x4b: {  	_ =	shalt  }
0x4c: {  	_ =	shalt  }
0x4d: {  	_ =	shalt  }
0x4e: {  	_ =	shalt  }
0x4f: {  	_ =	shalt  }
0x50: {  	_ =	shalt  }
0x51: {  	_ =	shalt  }
0x52: {  	_ =	shalt  }
0x53: {  	_ =	shalt  }
0x54: {  	_ =	shalt  }
0x55: {  	_ =	shalt  }
0x56: {  	_ =	shalt  }
0x57: {  	_ =	shalt  }
0x58: {  	_ =	shalt  }
0x59: {  	_ =	shalt  }
0x5a: {  	_ =	shalt  }
0x5b: {  	_ =	shalt  }
0x5c: {  	_ =	shalt  }
0x5d: {  	_ =	shalt  }
0x5e: {  	_ =	shalt  }
0x5f: {  	_ =	shalt  }
0x60: {  	_ =	shalt  }
0x61: {  	_ =	shalt  }
0x62: {  	_ =	shalt  }
0x63: {  	_ =	shalt  }
0x64: {  	_ =	shalt  }
0x65: {  	_ =	shalt  }
0x66: {  	_ =	shalt  }
0x67: {  	_ =	shalt  }
0x68: {  	_ =	shalt  }
0x69: {  	_ =	shalt  }
0x6a: {  	_ =	shalt  }
0x6b: {  	_ =	shalt  }
0x6c: {  	_ =	shalt  }
0x6d: {  	_ =	shalt  }
0x6e: {  	_ =	shalt  }
0x6f: {  	_ =	shalt  }
0x70: {  	_ =	shalt  }
0x71: {  	_ =	shalt  }
0x72: {  	_ =	shalt  }
0x73: {  	_ =	shalt  }
0x74: {  	_ =	shalt  }
0x75: {  	_ =	shalt  }
0x76: {  	_ =	shalt  }
0x77: {  	_ =	shalt  }
0x78: {  	_ =	shalt  }
0x79: {  	_ =	shalt  }
0x7a: {  	_ =	shalt  }
0x7b: {  	_ =	shalt  }
0x7c: {  	_ =	shalt  }
0x7d: {  	_ =	shalt  }
0x7e: {  	_ =	shalt  }
0x7f: {  	_ =	shalt  }
0x80: {  	_ =	shalt  }
0x81: {  	_ =	shalt  }
0x82: {  	_ =	shalt  }
0x83: {  	_ =	shalt  }
0x84: {  	_ =	shalt  }
0x85: {  	_ =	shalt  }
0x86: {  	_ =	shalt  }
0x87: {  	_ =	shalt  }
.Lfunc_end0:
.L_simem_size_0:
called_computation.1_lowered:
.L_overlay_start_0:
0x88: {  	s2 =	sld [smem:$0x3FD9]  }
0x89: {  	s3 =	sld [smem:$0x3FFE];
	_ =	sdelay $0x1  }
0x8a: {  	s1 =	srdreg.scid  }
0x8b: {  	s0 =	sand.u32 $0x1, s1  }
0x8c: {  	s16 =	sshll.u32 s0, $0xA;
	s2 =	sadd.s32 s3, s2  }
0x8d: {  	s2 =	sadd.s32 s2, s16  }
0x8e: {  	[smem:$0x3FC3] =	sst s2  }
0x8f: {  	_ = 	snop  }
0x90: {  	(tm) =	ssettm $0x1  }
0x91: {  	s17 =	sld [smem:$0x3FFB];
	_ =	sdelay $0x3  }
0x92: {  	_ =	strace s17  }
0x93: {  	s2 =	sld [smem:$0x3FFC];
	_ =	sdelay $0x3  }
0x94: {  	_ =	strace s2  }
0x95: {  	s2 =	sld [smem:$0x3FFD];
	_ =	sdelay $0x3  }
0x96: {  	_ =	strace s2  }
0x97: {  	_ =	strace $0x8FFFFFFF  }
0x98: {  	s18 =	sld [smem:$0x3FDB];
	_ =	sdelay $0x1  }
0x99: {  	s19 =	simm.s32 $_scs_section_size  }
0x9a: {  	s4 =	simm.s32 $_size__tile_overlayer_lowered;
	s5 =	simm.s32 $_tile_overlayer_lowered  }
0x9b: {  	s22 =	simm.s32 $0x1BFF;
	s21 =	sshll.u32 s5, $0x1;
	s2 =	sadd.s32 s19, s18  }
0x9c: {  	s6 =	simm.s32 $0x0;
	s20 =	sshll.u32 s4, $0x1;
	s4 =	sadd.s32 s21, s2  }
0x9d: {  	[timem:s6], [sflag:s22] =	dma.local [hbm:s4], s20  }
0x9e: {  	_ =	swait.ge [sflag:s22], s20  }
0x9f: {  	s3 =	ssub.s32 $0x0, s20;
	[sflag:s22] =	ssyncset.done $0x0  }
0xa0: {  	[sflag:s22] =	ssyncadd.s32 s3;
	_ =	sdelay $0x1  }
0xa1: {  	s23 =	simm.s32 $0x1B8B  }
0xa2: {  	_ =	swait.ge [sflag:s23], $0x1  }
0xa3: {  	[sflag:s23] =	ssyncset.done $0x0  }
0xa4: {  	s25 =	simm.s32 $0x1B8E;
	s24 =	sld [smem:$0x3FFE];
	[sflag:s23] =	ssyncadd.s32 $0xFFFFFFFF  }
0xa5: {  	s26 =	simm.s32 $execute0_lowered;
	[smem:$0x3FD2] =	sst s25  }
0xa6: {  	s4 =	sshll.u32 s26, $0x1;
	_ =	strace $0x80000049;
	[dreg:$0x1] =	wrdreg $0xFFFFFFFF  }
0xa7: {  	s28 =	simm.s32 $_size_execute0_lowered;
	s2 =	sadd.s32 s2, s4;
	[dreg:$0x0] =	wrdreg $0x0  }
0xa8: {  	s4 =	sshll.u32 s28, $0x1;
	[dreg:$0x2] =	wrdreg s2  }
0xa9: {  	[dreg:$0x3] =	wrdreg s4  }
0xaa: {  	[dreg:$0x4] =	wrdreg $0xC0  }
0xab: {  	_ =	task [dreg:s6], $0x5FFFF  }
0xac: {  	[dreg:$0x1] =	wrdreg $0xFFFFFFFF  }
0xad: {  	[dreg:$0x0] =	wrdreg $0x60  }
0xae: {  	[dreg:$0x2] =	wrdreg s24  }
0xaf: {  	[dreg:$0x3] =	wrdreg $0x9  }
0xb0: {  	_ =	task.clear_ibuf [dreg:s6], $0x4FFFF;
	_ =	strace $0x90000049  }
0xb1: {  	s29 =	simm.s32 $0x9;
	_ =	strace $0x8000004B  }
0xb2: {  	_ =	swait.ge [sflag:s29], $0x1  }
0xb3: {  	[sflag:s29] =	ssyncadd.s32 $0xFFFFFFFF  }
0xb4: {  	_ =	strace $0x9000004B  }
0xb5: {  	_ =	sfence  }
0xb6: {  	s30 =	sld [smem:$0x0];
	_ =	sdelay $0x2  }
0xb7: {  	s31 =	sshll.u32 s1, $0xD;
	s1 =	sshrl.u32 s1, $0x2  }
0xb8: {  	s3 =	sand.u32 $0x4000, s31;
	s1 =	sadd.s32 s1, s30  }
0xb9: {  	s0 =	sor.u32 s3, s0;
	s1 =	sshll.u32 s1, $0x11  }
0xba: {  	s0 =	sor.u32 s1, s0  }
0xbb: {  	s0 =	sadd.s32 $0x8F2B, s0  }
0xbc: {  	[sflag:s0] =	ssyncadd.remote.s32 $0x1  }
0xbd: {  	_ =	sfence.sel $0xFFFF  }
0xbe: {  	[dreg:$0x0] =	wrdreg $0xFFFFFFFF;
	(pc) =	sbr.abs _section_cstart, $3  }
0xbf: {  	[dreg:$0x1] =	wrdreg $0xFFFFFFFF  }
0xc0: {  	_ =	task.clear_ibuf [dreg:s6], $0x2FFFF;
	_ =	strace $0x9FFFFFFF  }
0xc1: {  	(tm) =	ssettm $0x7FFFFFFF  }
tec
execute0_lowered:
.L_overlay_start_1:
0x0: {  	(tag) =	ssettag $0x1  }
0x1: {  	s0 =	rddreg [dreg:$0x0];
	s2 =	simm.s32 $0x0  }
0x2: {  	s1 =	srdreg.scid;
	s3 =	stileid.u32;
	s24 =	simm.s32 $0x80  }
0x3: {  	s25 =	simm.s32 $0x100;
	s26 =	simm.s32 $0x180;
	s28 =	simm.s32 $0x3200  }
0x4: {  	s29 =	simm.s32 $0x3A00;
	s30 =	simm.s32 $0x4200;
	s31 =	simm.s32 $0x4A00  }
0x5: {  	s14 =	simm.s32 $0x8A00;
	s15 =	simm.s32 $0x9200;
	s13 =	simm.s32 $0xDA00  }
0x6: {  	[smem:$0x7FF] =	sst s2;
	s1 =	sand.u32 $0x1, s1;
	s3 =	sshll.u32 s3, $0x9  }
0x7: {  	s5 =	sadd.s32 $0x1000, s0;
	_ =	strace $0x8000004A;
	[dreg:$0xa] =	wrdreg s24  }
0x8: {  	s6 =	sadd.s32 $0x81800, s0;
	s4 =	sshll.u32 s1, $0x8;
	[dreg:$0xb] =	wrdreg s25  }
0x9: {  	s1 =	ssub.s32 $0x2, s1;
	[dreg:$0xc] =	wrdreg s26;
	s25 =	simm.s32 $0x4  }
0xa: {  	s26 =	simm.s32 $0x2;
	s24 =	simm.s32 $0x2A00;
	s4 =	sor.u32 s4, s3  }
0xb: {  	s3 =	sadd.s32 $0x81C00, s0;
	s8 =	sshrl.u32 s1, $0x1;
	s7 =	sshrl.u32 s4, $0x3  }
0xc: {  	s9 =	sor.u32 $0x40, s4;
	s10 =	sor.u32 $0x80, s4;
	s12 =	sor.u32 $0xC0, s4  }
0xd: {  	s4 =	sshll.u32 s4, $0x6;
	s1 =	ssub.s32 s1, s8;
	s7 =	sadd.s32 s6, s7  }
0xe: {  	s16 =	sshrl.u32 s9, $0x3;
	s11 =	sshrl.u32 s10, $0x3;
	s18 =	sshrl.u32 s12, $0x3  }
0xf: {  	s4 =	sadd.s32 s5, s4;
	s19 =	sshll.u32 s9, $0x6;
	s21 =	sshll.u32 s10, $0x6  }
0x10: {  	s23 =	sshll.u32 s12, $0x6;
	s9 =	simm.s32 $0x8200;
	[dreg:$0x2] =	wrdreg s7  }
0x11: {  	s10 =	simm.s32 $0xC200;
	s7 =	sadd.s32 s6, s16;
	[dreg:$0x6] =	wrdreg s4  }
0x12: {  	s12 =	simm.s32 $0xD200;
	s17 =	sadd.s32 s6, s11;
	[dreg:$0x3] =	wrdreg s7  }
0x13: {  	s6 =	sadd.s32 s6, s18;
	s20 =	sadd.s32 s5, s19;
	[dreg:$0x4] =	wrdreg s17  }
0x14: {  	s22 =	sadd.s32 s5, s21;
	s5 =	sadd.s32 s5, s23;
	[dreg:$0x5] =	wrdreg s6  }
0x15: {  	s4 =	sadd.s32 $0x81D00, s0;
	s16 =	simm.s32 $0x9A00;
	[dreg:$0x7] =	wrdreg s20  }
0x16: {  	s18 =	simm.s32 $0xAA00;
	s11 =	simm.s32 $0xCA00;
	[dreg:$0x8] =	wrdreg s22  }
0x17: {  	v2 =	vlaneseq.u32;
	s21 =	simm.s32 $0xEA00;
	s23 =	simm.s32 $0xFA00;
	[dreg:$0x9] =	wrdreg s5  }
0x18: {  	vm0 =	vmmov $0xffff;
	v1 =	vshrl.u32 v2, $0x3;
	s5 =	smax.u32 s1, $0x1;
	s6 =	simm.s32 $0x1;
	s17 =	simm.s32 $0xA200  }
0x19: {  	v0 =	vand.u32 $0x7, v2;
	v2 =	vor.u32 $0x8, v2;
	v1 =	vmul.u32 $0x8, v1;
	s7 =	simm.s32 $0xB200;
	s1 =	simm.s32 $0xBA00;
	s22 =	simm.s32 $0xF200  }
.LBB2_1:
0x1a: {  	s19 =	rddreg [dreg:$0x2]  }
0x1b: {  	[tilespmem:s2], [sflag:$0x1] =	stream.linear.gather [hbm4b:s19+s2], $0x40, $0x38;
	[tilespmem:$0x10200] =	vst v63  }
0x1c: {  	_ =	swait.ge [sflag:s6], $0x40  }
0x1d: {  	s8 =	rddreg [dreg:$0x3];
	[sflag:s6] =	ssyncset.done $0x0  }
0x1e: {  	s20 =	rddreg [dreg:$0xa];
	[sflag:s6] =	ssyncadd.s32 $0xFFFFFFC0  }
0x1f: {  	[tilespmem:s20], [sflag:$0x1] =	stream.linear.gather [hbm4b:s8+s2], $0x40, $0x38;
	[tilespmem:$0x10200] =	vst v63  }
0x20: {  	_ =	swait.ge [sflag:s6], $0x40  }
0x21: {  	s0 =	rddreg [dreg:$0x4];
	[sflag:s6] =	ssyncset.done $0x0  }
0x22: {  	s8 =	rddreg [dreg:$0xb];
	[sflag:s6] =	ssyncadd.s32 $0xFFFFFFC0  }
0x23: {  	[tilespmem:s8], [sflag:$0x1] =	stream.linear.gather [hbm4b:s0+s2], $0x40, $0x38;
	[tilespmem:$0x10200] =	vst v63  }
0x24: {  	_ =	swait.ge [sflag:s6], $0x40  }
0x25: {  	s0 =	rddreg [dreg:$0x5];
	[sflag:s6] =	ssyncset.done $0x0  }
0x26: {  	s8 =	rddreg [dreg:$0xc];
	[sflag:s6] =	ssyncadd.s32 $0xFFFFFFC0  }
0x27: {  	[tilespmem:s8], [sflag:$0x1] =	stream.linear.gather [hbm4b:s0+s2], $0x40, $0x38;
	[tilespmem:$0x10200] =	vst v63  }
0x28: {  	_ =	swait.ge [sflag:s6], $0x40  }
0x29: {  	[sflag:s6] =	ssyncset.done $0x0  }
0x2a: {  	s8 =	simm.s32 $0x200;
	s20 =	rddreg [dreg:$0x6];
	[sflag:s6] =	ssyncadd.s32 $0xFFFFFFC0  }
0x2b: {  	[tilespmem:s8], [sflag:$0x2] =	stream.linear.gather [hbm4b:s20+s2], $0x8000, $0x38;
	[tilespmem:$0x10200] =	vst v63  }
0x2c: {  	s0 =	rddreg [dreg:$0x7]  }
0x2d: {  	[tilespmem:s9], [sflag:$0x3] =	stream.linear.gather [hbm4b:s0+s2], $0x8000, $0x38;
	[tilespmem:$0x10200] =	vst v63  }
0x2e: {  	_ =	swait.ge [sflag:s26], $0x8000  }
0x2f: {  	[sflag:s26] =	ssyncset.done $0x0  }
0x30: {  	[sflag:s26] =	ssyncadd.s32 $0xFFFF8000  }
0x31: {  	v3 =	vld [tilespmem:$0x0];
	_ =	sdelay $0x4  }
0x32: {  	v4 =	vshll.u32 v3, $0x2  }
0x33: {  	v3 =	vand.u32 $0x7, v3;
	v4 =	vand.u32 $0xFFFFFFE0, v4  }
0x34: {  	v3 =	vor.u32 v3, v4  }
0x35: {  	v4 =	vperm.xlane v3, v0;
	_ =	sdelay $0x1  }
0x36: {  	v4 =	vadd.s32 v1, v4;
	_ =	sdelay $0x1  }
0x37: {  	v3 =	vperm.xlane v3, v2;
	_ =	sdelay $0x1  }
0x38: {  	v3 =	vadd.s32 v1, v3  }
0x39: {  	[hbm4b:s3+s2] =	stream.indirect_vreg.scatter [tilespmem:s8], [sflag:$0x4], $0x80, v4, vm0, $0xb8;
	[tilespmem:$0x10200] =	vst v63  }
0x3a: {  	s0 =	simm.s32 $0xA00  }
0x3b: {  	[hbm4b:s4+s2] =	stream.indirect_vreg.scatter [tilespmem:s0], [sflag:$0x4], $0x80, v4, vm0, $0xb8;
	[tilespmem:$0x10200] =	vst v63  }
0x3c: {  	s20 =	simm.s32 $0x1200  }
0x3d: {  	[hbm4b:s3+s2] =	stream.indirect_vreg.scatter [tilespmem:s20], [sflag:$0x4], $0x80, v3, vm0, $0xb8;
	[tilespmem:$0x10200] =	vst v63  }
0x3e: {  	s19 =	simm.s32 $0x1A00  }
0x3f: {  	[hbm4b:s4+s2] =	stream.indirect_vreg.scatter [tilespmem:s19], [sflag:$0x4], $0x80, v3, vm0, $0xb8;
	[tilespmem:$0x10200] =	vst v63  }
0x40: {  	v3 =	vld [tilespmem:$0x10];
	_ =	sdelay $0x4  }
0x41: {  	v49 =	vshll.u32 v3, $0x2  }
0x42: {  	v3 =	vand.u32 $0x7, v3;
	v4 =	vand.u32 $0xFFFFFFE0, v49  }
0x43: {  	v3 =	vor.u32 v3, v4  }
0x44: {  	v4 =	vperm.xlane v3, v0;
	_ =	sdelay $0x1  }
0x45: {  	v4 =	vadd.s32 v1, v4;
	_ =	sdelay $0x1  }
0x46: {  	v3 =	vperm.xlane v3, v2;
	_ =	sdelay $0x1  }
0x47: {  	s20 =	simm.s32 $0x2200;
	v3 =	vadd.s32 v1, v3  }
0x48: {  	[hbm4b:s3+s2] =	stream.indirect_vreg.scatter [tilespmem:s20], [sflag:$0x4], $0x80, v4, vm0, $0xb8;
	[tilespmem:$0x10200] =	vst v63  }
0x49: {  	_ = 	snop  }
0x4a: {  	[hbm4b:s4+s2] =	stream.indirect_vreg.scatter [tilespmem:s24], [sflag:$0x4], $0x80, v4, vm0, $0xb8;
	[tilespmem:$0x10200] =	vst v63  }
0x4b: {  	_ = 	snop  }
0x4c: {  	[hbm4b:s3+s2] =	stream.indirect_vreg.scatter [tilespmem:s28], [sflag:$0x4], $0x80, v3, vm0, $0xb8;
	[tilespmem:$0x10200] =	vst v63  }
0x4d: {  	_ = 	snop  }
0x4e: {  	[hbm4b:s4+s2] =	stream.indirect_vreg.scatter [tilespmem:s29], [sflag:$0x4], $0x80, v3, vm0, $0xb8;
	[tilespmem:$0x10200] =	vst v63  }
0x4f: {  	v3 =	vld [tilespmem:$0x20];
	_ =	sdelay $0x4  }
0x50: {  	v50 =	vshll.u32 v3, $0x2  }
0x51: {  	v3 =	vand.u32 $0x7, v3;
	v4 =	vand.u32 $0xFFFFFFE0, v50  }
0x52: {  	v3 =	vor.u32 v3, v4  }
0x53: {  	v4 =	vperm.xlane v3, v0;
	_ =	sdelay $0x1  }
0x54: {  	v4 =	vadd.s32 v1, v4;
	_ =	sdelay $0x1  }
0x55: {  	v3 =	vperm.xlane v3, v2;
	_ =	sdelay $0x1  }
0x56: {  	v3 =	vadd.s32 v1, v3  }
0x57: {  	[hbm4b:s3+s2] =	stream.indirect_vreg.scatter [tilespmem:s30], [sflag:$0x4], $0x80, v4, vm0, $0xb8;
	[tilespmem:$0x10200] =	vst v63  }
0x58: {  	_ = 	snop  }
0x59: {  	[hbm4b:s4+s2] =	stream.indirect_vreg.scatter [tilespmem:s31], [sflag:$0x4], $0x80, v4, vm0, $0xb8;
	[tilespmem:$0x10200] =	vst v63  }
0x5a: {  	s19 =	simm.s32 $0x5200  }
0x5b: {  	[hbm4b:s3+s2] =	stream.indirect_vreg.scatter [tilespmem:s19], [sflag:$0x4], $0x80, v3, vm0, $0xb8;
	[tilespmem:$0x10200] =	vst v63  }
0x5c: {  	s20 =	simm.s32 $0x5A00  }
0x5d: {  	[hbm4b:s4+s2] =	stream.indirect_vreg.scatter [tilespmem:s20], [sflag:$0x4], $0x80, v3, vm0, $0xb8;
	[tilespmem:$0x10200] =	vst v63  }
0x5e: {  	v3 =	vld [tilespmem:$0x30];
	_ =	sdelay $0x4  }
0x5f: {  	v51 =	vshll.u32 v3, $0x2  }
0x60: {  	v3 =	vand.u32 $0x7, v3;
	v4 =	vand.u32 $0xFFFFFFE0, v51  }
0x61: {  	v3 =	vor.u32 v3, v4  }
0x62: {  	v4 =	vperm.xlane v3, v0;
	_ =	sdelay $0x1  }
0x63: {  	v4 =	vadd.s32 v1, v4;
	_ =	sdelay $0x1  }
0x64: {  	v3 =	vperm.xlane v3, v2;
	_ =	sdelay $0x1  }
0x65: {  	s19 =	simm.s32 $0x6200;
	v3 =	vadd.s32 v1, v3  }
0x66: {  	[hbm4b:s3+s2] =	stream.indirect_vreg.scatter [tilespmem:s19], [sflag:$0x4], $0x80, v4, vm0, $0xb8;
	[tilespmem:$0x10200] =	vst v63  }
0x67: {  	s20 =	simm.s32 $0x6A00  }
0x68: {  	[hbm4b:s4+s2] =	stream.indirect_vreg.scatter [tilespmem:s20], [sflag:$0x4], $0x80, v4, vm0, $0xb8;
	[tilespmem:$0x10200] =	vst v63  }
0x69: {  	s19 =	simm.s32 $0x7200  }
0x6a: {  	[hbm4b:s3+s2] =	stream.indirect_vreg.scatter [tilespmem:s19], [sflag:$0x4], $0x80, v3, vm0, $0xb8;
	[tilespmem:$0x10200] =	vst v63  }
0x6b: {  	s20 =	simm.s32 $0x7A00  }
0x6c: {  	[hbm4b:s4+s2] =	stream.indirect_vreg.scatter [tilespmem:s20], [sflag:$0x4], $0x80, v3, vm0, $0xb8;
	[tilespmem:$0x10200] =	vst v63  }
0x6d: {  	_ =	swait.ge [sflag:s25], $0x8000  }
0x6e: {  	[sflag:s25] =	ssyncset.done $0x0  }
0x6f: {  	s0 =	rddreg [dreg:$0x8];
	[sflag:s25] =	ssyncadd.s32 $0xFFFF8000  }
0x70: {  	[tilespmem:s8], [sflag:$0x2] =	stream.linear.gather [hbm4b:s0+s2], $0x8000, $0x38;
	[tilespmem:$0x10200] =	vst v63  }
0x71: {  	s0 =	simm.s32 $0x3  }
0x72: {  	_ =	swait.ge [sflag:s0], $0x8000  }
0x73: {  	[sflag:s0] =	ssyncset.done $0x0  }
0x74: {  	[sflag:s0] =	ssyncadd.s32 $0xFFFF8000  }
0x75: {  	v3 =	vld [tilespmem:$0x80];
	_ =	sdelay $0x4  }
0x76: {  	v52 =	vshll.u32 v3, $0x2  }
0x77: {  	v3 =	vand.u32 $0x7, v3;
	v4 =	vand.u32 $0xFFFFFFE0, v52  }
0x78: {  	v3 =	vor.u32 v3, v4  }
0x79: {  	v4 =	vperm.xlane v3, v0;
	_ =	sdelay $0x1  }
0x7a: {  	v4 =	vadd.s32 v1, v4;
	_ =	sdelay $0x1  }
0x7b: {  	v3 =	vperm.xlane v3, v2;
	_ =	sdelay $0x1  }
0x7c: {  	v3 =	vadd.s32 v1, v3  }
0x7d: {  	[hbm4b:s3+s2] =	stream.indirect_vreg.scatter [tilespmem:s9], [sflag:$0x4], $0x80, v4, vm0, $0xb8;
	[tilespmem:$0x10200] =	vst v63  }
0x7e: {  	_ = 	snop  }
0x7f: {  	[hbm4b:s4+s2] =	stream.indirect_vreg.scatter [tilespmem:s14], [sflag:$0x4], $0x80, v4, vm0, $0xb8;
	[tilespmem:$0x10200] =	vst v63  }
0x80: {  	_ = 	snop  }
0x81: {  	[hbm4b:s3+s2] =	stream.indirect_vreg.scatter [tilespmem:s15], [sflag:$0x4], $0x80, v3, vm0, $0xb8;
	[tilespmem:$0x10200] =	vst v63  }
0x82: {  	_ = 	snop  }
0x83: {  	[hbm4b:s4+s2] =	stream.indirect_vreg.scatter [tilespmem:s16], [sflag:$0x4], $0x80, v3, vm0, $0xb8;
	[tilespmem:$0x10200] =	vst v63  }
0x84: {  	v3 =	vld [tilespmem:$0x90];
	_ =	sdelay $0x4  }
0x85: {  	v53 =	vshll.u32 v3, $0x2  }
0x86: {  	v3 =	vand.u32 $0x7, v3;
	v4 =	vand.u32 $0xFFFFFFE0, v53  }
0x87: {  	v3 =	vor.u32 v3, v4  }
0x88: {  	v4 =	vperm.xlane v3, v0;
	_ =	sdelay $0x1  }
0x89: {  	v4 =	vadd.s32 v1, v4;
	_ =	sdelay $0x1  }
0x8a: {  	v3 =	vperm.xlane v3, v2;
	_ =	sdelay $0x1  }
0x8b: {  	v3 =	vadd.s32 v1, v3  }
0x8c: {  	[hbm4b:s3+s2] =	stream.indirect_vreg.scatter [tilespmem:s17], [sflag:$0x4], $0x80, v4, vm0, $0xb8;
	[tilespmem:$0x10200] =	vst v63  }
0x8d: {  	_ = 	snop  }
0x8e: {  	[hbm4b:s4+s2] =	stream.indirect_vreg.scatter [tilespmem:s18], [sflag:$0x4], $0x80, v4, vm0, $0xb8;
	[tilespmem:$0x10200] =	vst v63  }
0x8f: {  	_ = 	snop  }
0x90: {  	[hbm4b:s3+s2] =	stream.indirect_vreg.scatter [tilespmem:s7], [sflag:$0x4], $0x80, v3, vm0, $0xb8;
	[tilespmem:$0x10200] =	vst v63  }
0x91: {  	_ = 	snop  }
0x92: {  	[hbm4b:s4+s2] =	stream.indirect_vreg.scatter [tilespmem:s1], [sflag:$0x4], $0x80, v3, vm0, $0xb8;
	[tilespmem:$0x10200] =	vst v63  }
0x93: {  	v3 =	vld [tilespmem:$0xA0];
	_ =	sdelay $0x4  }
0x94: {  	v54 =	vshll.u32 v3, $0x2  }
0x95: {  	v3 =	vand.u32 $0x7, v3;
	v4 =	vand.u32 $0xFFFFFFE0, v54  }
0x96: {  	v3 =	vor.u32 v3, v4  }
0x97: {  	v4 =	vperm.xlane v3, v0;
	_ =	sdelay $0x1  }
0x98: {  	v4 =	vadd.s32 v1, v4;
	_ =	sdelay $0x1  }
0x99: {  	v3 =	vperm.xlane v3, v2;
	_ =	sdelay $0x1  }
0x9a: {  	v3 =	vadd.s32 v1, v3  }
0x9b: {  	[hbm4b:s3+s2] =	stream.indirect_vreg.scatter [tilespmem:s10], [sflag:$0x4], $0x80, v4, vm0, $0xb8;
	[tilespmem:$0x10200] =	vst v63  }
0x9c: {  	_ = 	snop  }
0x9d: {  	[hbm4b:s4+s2] =	stream.indirect_vreg.scatter [tilespmem:s11], [sflag:$0x4], $0x80, v4, vm0, $0xb8;
	[tilespmem:$0x10200] =	vst v63  }
0x9e: {  	_ = 	snop  }
0x9f: {  	[hbm4b:s3+s2] =	stream.indirect_vreg.scatter [tilespmem:s12], [sflag:$0x4], $0x80, v3, vm0, $0xb8;
	[tilespmem:$0x10200] =	vst v63  }
0xa0: {  	_ = 	snop  }
0xa1: {  	[hbm4b:s4+s2] =	stream.indirect_vreg.scatter [tilespmem:s13], [sflag:$0x4], $0x80, v3, vm0, $0xb8;
	[tilespmem:$0x10200] =	vst v63  }
0xa2: {  	v3 =	vld [tilespmem:$0xB0];
	_ =	sdelay $0x4  }
0xa3: {  	v55 =	vshll.u32 v3, $0x2  }
0xa4: {  	v3 =	vand.u32 $0x7, v3;
	v4 =	vand.u32 $0xFFFFFFE0, v55  }
0xa5: {  	v3 =	vor.u32 v3, v4  }
0xa6: {  	v4 =	vperm.xlane v3, v0;
	_ =	sdelay $0x1  }
0xa7: {  	v4 =	vadd.s32 v1, v4;
	_ =	sdelay $0x1  }
0xa8: {  	v3 =	vperm.xlane v3, v2;
	_ =	sdelay $0x1  }
0xa9: {  	s20 =	simm.s32 $0xE200;
	v3 =	vadd.s32 v1, v3  }
0xaa: {  	[hbm4b:s3+s2] =	stream.indirect_vreg.scatter [tilespmem:s20], [sflag:$0x4], $0x80, v4, vm0, $0xb8;
	[tilespmem:$0x10200] =	vst v63  }
0xab: {  	_ = 	snop  }
0xac: {  	[hbm4b:s4+s2] =	stream.indirect_vreg.scatter [tilespmem:s21], [sflag:$0x4], $0x80, v4, vm0, $0xb8;
	[tilespmem:$0x10200] =	vst v63  }
0xad: {  	_ = 	snop  }
0xae: {  	[hbm4b:s3+s2] =	stream.indirect_vreg.scatter [tilespmem:s22], [sflag:$0x4], $0x80, v3, vm0, $0xb8;
	[tilespmem:$0x10200] =	vst v63  }
0xaf: {  	_ = 	snop  }
0xb0: {  	[hbm4b:s4+s2] =	stream.indirect_vreg.scatter [tilespmem:s23], [sflag:$0x4], $0x80, v3, vm0, $0xb8;
	[tilespmem:$0x10200] =	vst v63  }
0xb1: {  	_ =	swait.ge [sflag:s25], $0x8000  }
0xb2: {  	[sflag:s25] =	ssyncset.done $0x0  }
0xb3: {  	s19 =	rddreg [dreg:$0x9];
	[sflag:s25] =	ssyncadd.s32 $0xFFFF8000  }
0xb4: {  	[tilespmem:s9], [sflag:$0x3] =	stream.linear.gather [hbm4b:s19+s2], $0x8000, $0x38;
	[tilespmem:$0x10200] =	vst v63  }
0xb5: {  	_ =	swait.ge [sflag:s26], $0x8000  }
0xb6: {  	[sflag:s26] =	ssyncset.done $0x0  }
0xb7: {  	[sflag:s26] =	ssyncadd.s32 $0xFFFF8000  }
0xb8: {  	v3 =	vld [tilespmem:$0x100];
	_ =	sdelay $0x4  }
0xb9: {  	v56 =	vshll.u32 v3, $0x2  }
0xba: {  	v3 =	vand.u32 $0x7, v3;
	v4 =	vand.u32 $0xFFFFFFE0, v56  }
0xbb: {  	v3 =	vor.u32 v3, v4  }
0xbc: {  	v4 =	vperm.xlane v3, v0;
	_ =	sdelay $0x1  }
0xbd: {  	v4 =	vadd.s32 v1, v4;
	_ =	sdelay $0x1  }
0xbe: {  	v3 =	vperm.xlane v3, v2;
	_ =	sdelay $0x1  }
0xbf: {  	v3 =	vadd.s32 v1, v3  }
0xc0: {  	[hbm4b:s3+s2] =	stream.indirect_vreg.scatter [tilespmem:s8], [sflag:$0x4], $0x80, v4, vm0, $0xb8;
	[tilespmem:$0x10200] =	vst v63  }
0xc1: {  	s19 =	simm.s32 $0xA00  }
0xc2: {  	[hbm4b:s4+s2] =	stream.indirect_vreg.scatter [tilespmem:s19], [sflag:$0x4], $0x80, v4, vm0, $0xb8;
	[tilespmem:$0x10200] =	vst v63  }
0xc3: {  	s19 =	simm.s32 $0x1200  }
0xc4: {  	[hbm4b:s3+s2] =	stream.indirect_vreg.scatter [tilespmem:s19], [sflag:$0x4], $0x80, v3, vm0, $0xb8;
	[tilespmem:$0x10200] =	vst v63  }
0xc5: {  	s19 =	simm.s32 $0x1A00  }
0xc6: {  	[hbm4b:s4+s2] =	stream.indirect_vreg.scatter [tilespmem:s19], [sflag:$0x4], $0x80, v3, vm0, $0xb8;
	[tilespmem:$0x10200] =	vst v63  }
0xc7: {  	v3 =	vld [tilespmem:$0x110];
	_ =	sdelay $0x4  }
0xc8: {  	v57 =	vshll.u32 v3, $0x2  }
0xc9: {  	v3 =	vand.u32 $0x7, v3;
	v4 =	vand.u32 $0xFFFFFFE0, v57  }
0xca: {  	v3 =	vor.u32 v3, v4  }
0xcb: {  	v4 =	vperm.xlane v3, v0;
	_ =	sdelay $0x1  }
0xcc: {  	v4 =	vadd.s32 v1, v4;
	_ =	sdelay $0x1  }
0xcd: {  	v3 =	vperm.xlane v3, v2;
	_ =	sdelay $0x1  }
0xce: {  	s19 =	simm.s32 $0x2200;
	v3 =	vadd.s32 v1, v3  }
0xcf: {  	[hbm4b:s3+s2] =	stream.indirect_vreg.scatter [tilespmem:s19], [sflag:$0x4], $0x80, v4, vm0, $0xb8;
	[tilespmem:$0x10200] =	vst v63  }
0xd0: {  	_ = 	snop  }
0xd1: {  	[hbm4b:s4+s2] =	stream.indirect_vreg.scatter [tilespmem:s24], [sflag:$0x4], $0x80, v4, vm0, $0xb8;
	[tilespmem:$0x10200] =	vst v63  }
0xd2: {  	_ = 	snop  }
0xd3: {  	[hbm4b:s3+s2] =	stream.indirect_vreg.scatter [tilespmem:s28], [sflag:$0x4], $0x80, v3, vm0, $0xb8;
	[tilespmem:$0x10200] =	vst v63  }
0xd4: {  	_ = 	snop  }
0xd5: {  	[hbm4b:s4+s2] =	stream.indirect_vreg.scatter [tilespmem:s29], [sflag:$0x4], $0x80, v3, vm0, $0xb8;
	[tilespmem:$0x10200] =	vst v63  }
0xd6: {  	v3 =	vld [tilespmem:$0x120];
	_ =	sdelay $0x4  }
0xd7: {  	v58 =	vshll.u32 v3, $0x2  }
0xd8: {  	v3 =	vand.u32 $0x7, v3;
	v4 =	vand.u32 $0xFFFFFFE0, v58  }
0xd9: {  	v3 =	vor.u32 v3, v4  }
0xda: {  	v4 =	vperm.xlane v3, v0;
	_ =	sdelay $0x1  }
0xdb: {  	v4 =	vadd.s32 v1, v4;
	_ =	sdelay $0x1  }
0xdc: {  	v3 =	vperm.xlane v3, v2;
	_ =	sdelay $0x1  }
0xdd: {  	v3 =	vadd.s32 v1, v3  }
0xde: {  	[hbm4b:s3+s2] =	stream.indirect_vreg.scatter [tilespmem:s30], [sflag:$0x4], $0x80, v4, vm0, $0xb8;
	[tilespmem:$0x10200] =	vst v63  }
0xdf: {  	_ = 	snop  }
0xe0: {  	[hbm4b:s4+s2] =	stream.indirect_vreg.scatter [tilespmem:s31], [sflag:$0x4], $0x80, v4, vm0, $0xb8;
	[tilespmem:$0x10200] =	vst v63  }
0xe1: {  	s19 =	simm.s32 $0x5200  }
0xe2: {  	[hbm4b:s3+s2] =	stream.indirect_vreg.scatter [tilespmem:s19], [sflag:$0x4], $0x80, v3, vm0, $0xb8;
	[tilespmem:$0x10200] =	vst v63  }
0xe3: {  	s19 =	simm.s32 $0x5A00  }
0xe4: {  	[hbm4b:s4+s2] =	stream.indirect_vreg.scatter [tilespmem:s19], [sflag:$0x4], $0x80, v3, vm0, $0xb8;
	[tilespmem:$0x10200] =	vst v63  }
0xe5: {  	v3 =	vld [tilespmem:$0x130];
	_ =	sdelay $0x4  }
0xe6: {  	v59 =	vshll.u32 v3, $0x2  }
0xe7: {  	v3 =	vand.u32 $0x7, v3;
	v4 =	vand.u32 $0xFFFFFFE0, v59  }
0xe8: {  	v3 =	vor.u32 v3, v4  }
0xe9: {  	v4 =	vperm.xlane v3, v0;
	_ =	sdelay $0x1  }
0xea: {  	v4 =	vadd.s32 v1, v4;
	_ =	sdelay $0x1  }
0xeb: {  	v3 =	vperm.xlane v3, v2;
	_ =	sdelay $0x1  }
0xec: {  	s19 =	simm.s32 $0x6200;
	v3 =	vadd.s32 v1, v3  }
0xed: {  	[hbm4b:s3+s2] =	stream.indirect_vreg.scatter [tilespmem:s19], [sflag:$0x4], $0x80, v4, vm0, $0xb8;
	[tilespmem:$0x10200] =	vst v63  }
0xee: {  	s19 =	simm.s32 $0x6A00  }
0xef: {  	[hbm4b:s4+s2] =	stream.indirect_vreg.scatter [tilespmem:s19], [sflag:$0x4], $0x80, v4, vm0, $0xb8;
	[tilespmem:$0x10200] =	vst v63  }
0xf0: {  	s19 =	simm.s32 $0x7200  }
0xf1: {  	[hbm4b:s3+s2] =	stream.indirect_vreg.scatter [tilespmem:s19], [sflag:$0x4], $0x80, v3, vm0, $0xb8;
	[tilespmem:$0x10200] =	vst v63  }
0xf2: {  	s19 =	simm.s32 $0x7A00  }
0xf3: {  	[hbm4b:s4+s2] =	stream.indirect_vreg.scatter [tilespmem:s19], [sflag:$0x4], $0x80, v3, vm0, $0xb8;
	[tilespmem:$0x10200] =	vst v63  }
0xf4: {  	_ =	swait.ge [sflag:s25], $0x8000  }
0xf5: {  	[sflag:s25] =	ssyncset.done $0x0  }
0xf6: {  	[sflag:s25] =	ssyncadd.s32 $0xFFFF8000  }
0xf7: {  	_ =	swait.ge [sflag:s0], $0x8000  }
0xf8: {  	[sflag:s0] =	ssyncset.done $0x0  }
0xf9: {  	[sflag:s0] =	ssyncadd.s32 $0xFFFF8000  }
0xfa: {  	v3 =	vld [tilespmem:$0x180];
	_ =	sdelay $0x4  }
0xfb: {  	v60 =	vshll.u32 v3, $0x2  }
0xfc: {  	v3 =	vand.u32 $0x7, v3;
	v4 =	vand.u32 $0xFFFFFFE0, v60  }
0xfd: {  	v3 =	vor.u32 v3, v4  }
0xfe: {  	v4 =	vperm.xlane v3, v0;
	_ =	sdelay $0x1  }
0xff: {  	v4 =	vadd.s32 v1, v4;
	_ =	sdelay $0x1  }
0x100: {  	v3 =	vperm.xlane v3, v2;
	_ =	sdelay $0x1  }
0x101: {  	v3 =	vadd.s32 v1, v3  }
0x102: {  	[hbm4b:s3+s2] =	stream.indirect_vreg.scatter [tilespmem:s9], [sflag:$0x4], $0x80, v4, vm0, $0xb8;
	[tilespmem:$0x10200] =	vst v63  }
0x103: {  	_ = 	snop  }
0x104: {  	[hbm4b:s4+s2] =	stream.indirect_vreg.scatter [tilespmem:s14], [sflag:$0x4], $0x80, v4, vm0, $0xb8;
	[tilespmem:$0x10200] =	vst v63  }
0x105: {  	_ = 	snop  }
0x106: {  	[hbm4b:s3+s2] =	stream.indirect_vreg.scatter [tilespmem:s15], [sflag:$0x4], $0x80, v3, vm0, $0xb8;
	[tilespmem:$0x10200] =	vst v63  }
0x107: {  	_ = 	snop  }
0x108: {  	[hbm4b:s4+s2] =	stream.indirect_vreg.scatter [tilespmem:s16], [sflag:$0x4], $0x80, v3, vm0, $0xb8;
	[tilespmem:$0x10200] =	vst v63  }
0x109: {  	v3 =	vld [tilespmem:$0x190];
	_ =	sdelay $0x4  }
0x10a: {  	v61 =	vshll.u32 v3, $0x2  }
0x10b: {  	v3 =	vand.u32 $0x7, v3;
	v4 =	vand.u32 $0xFFFFFFE0, v61  }
0x10c: {  	v3 =	vor.u32 v3, v4  }
0x10d: {  	v4 =	vperm.xlane v3, v0;
	_ =	sdelay $0x1  }
0x10e: {  	v4 =	vadd.s32 v1, v4;
	_ =	sdelay $0x1  }
0x10f: {  	v3 =	vperm.xlane v3, v2;
	_ =	sdelay $0x1  }
0x110: {  	v3 =	vadd.s32 v1, v3  }
0x111: {  	[hbm4b:s3+s2] =	stream.indirect_vreg.scatter [tilespmem:s17], [sflag:$0x4], $0x80, v4, vm0, $0xb8;
	[tilespmem:$0x10200] =	vst v63  }
0x112: {  	_ = 	snop  }
0x113: {  	[hbm4b:s4+s2] =	stream.indirect_vreg.scatter [tilespmem:s18], [sflag:$0x4], $0x80, v4, vm0, $0xb8;
	[tilespmem:$0x10200] =	vst v63  }
0x114: {  	_ = 	snop  }
0x115: {  	[hbm4b:s3+s2] =	stream.indirect_vreg.scatter [tilespmem:s7], [sflag:$0x4], $0x80, v3, vm0, $0xb8;
	[tilespmem:$0x10200] =	vst v63  }
0x116: {  	_ = 	snop  }
0x117: {  	[hbm4b:s4+s2] =	stream.indirect_vreg.scatter [tilespmem:s1], [sflag:$0x4], $0x80, v3, vm0, $0xb8;
	[tilespmem:$0x10200] =	vst v63  }
0x118: {  	v3 =	vld [tilespmem:$0x1A0];
	_ =	sdelay $0x4  }
0x119: {  	v62 =	vshll.u32 v3, $0x2  }
0x11a: {  	v3 =	vand.u32 $0x7, v3;
	v4 =	vand.u32 $0xFFFFFFE0, v62  }
0x11b: {  	v3 =	vor.u32 v3, v4  }
0x11c: {  	v4 =	vperm.xlane v3, v0;
	_ =	sdelay $0x1  }
0x11d: {  	v4 =	vadd.s32 v1, v4;
	_ =	sdelay $0x1  }
0x11e: {  	v3 =	vperm.xlane v3, v2;
	_ =	sdelay $0x1  }
0x11f: {  	v3 =	vadd.s32 v1, v3  }
0x120: {  	[hbm4b:s3+s2] =	stream.indirect_vreg.scatter [tilespmem:s10], [sflag:$0x4], $0x80, v4, vm0, $0xb8;
	[tilespmem:$0x10200] =	vst v63  }
0x121: {  	_ = 	snop  }
0x122: {  	[hbm4b:s4+s2] =	stream.indirect_vreg.scatter [tilespmem:s11], [sflag:$0x4], $0x80, v4, vm0, $0xb8;
	[tilespmem:$0x10200] =	vst v63  }
0x123: {  	_ = 	snop  }
0x124: {  	[hbm4b:s3+s2] =	stream.indirect_vreg.scatter [tilespmem:s12], [sflag:$0x4], $0x80, v3, vm0, $0xb8;
	[tilespmem:$0x10200] =	vst v63  }
0x125: {  	_ = 	snop  }
0x126: {  	[hbm4b:s4+s2] =	stream.indirect_vreg.scatter [tilespmem:s13], [sflag:$0x4], $0x80, v3, vm0, $0xb8;
	[tilespmem:$0x10200] =	vst v63  }
0x127: {  	v3 =	vld [tilespmem:$0x1B0];
	_ =	sdelay $0x4  }
0x128: {  	v63 =	vshll.u32 v3, $0x2  }
0x129: {  	v3 =	vand.u32 $0x7, v3;
	v4 =	vand.u32 $0xFFFFFFE0, v63  }
0x12a: {  	v3 =	vor.u32 v3, v4  }
0x12b: {  	v4 =	vperm.xlane v3, v0;
	_ =	sdelay $0x1  }
0x12c: {  	v4 =	vadd.s32 v1, v4;
	_ =	sdelay $0x1  }
0x12d: {  	v3 =	vperm.xlane v3, v2;
	_ =	sdelay $0x1  }
0x12e: {  	v3 =	vadd.s32 v1, v3  }
0x12f: {  	[hbm4b:s3+s2] =	stream.indirect_vreg.scatter [tilespmem:s20], [sflag:$0x4], $0x80, v4, vm0, $0xb8;
	[tilespmem:$0x10200] =	vst v63  }
0x130: {  	_ = 	snop  }
0x131: {  	[hbm4b:s4+s2] =	stream.indirect_vreg.scatter [tilespmem:s21], [sflag:$0x4], $0x80, v4, vm0, $0xb8;
	[tilespmem:$0x10200] =	vst v63  }
0x132: {  	p0 =	sne.s32 s5, $0x1  }
0x133: {  	[hbm4b:s3+s2] =	stream.indirect_vreg.scatter [tilespmem:s22], [sflag:$0x4], $0x80, v3, vm0, $0xb8;
	[tilespmem:$0x10200] =	vst v63  }
.Ltmp0:
0x134: {  	_ = 	snop;
	(pc) =	sbr.rel @p0 .LBB2_1-.Ltmp0, $4  }
0x135: {  	[hbm4b:s4+s2] =	stream.indirect_vreg.scatter [tilespmem:s23], [sflag:$0x4], $0x80, v3, vm0, $0xb8;
	[tilespmem:$0x10200] =	vst v63  }
0x136: {  	_ =	swait.ge [sflag:s25], $0x8000  }
0x137: {  	[sflag:s25] =	ssyncset.done $0x0  }
0x138: {  	s5 =	sadd.s32 $0xFFFFFFFF, s5;
	[sflag:s25] =	ssyncadd.s32 $0xFFFF8000  }
0x139: {  	_ =	sfence.sel $0x180000  }
0x13a: {  	[bflag:$0x0] =	sbarrier.arrive $0xFFFF  }
0x13b: {  	_ =	strace $0x9000004A  }
0x13c: {  	s0 =	stileid.u32;
	[bflag:$0x2] =	sbarrier.arrive $0xFFFF  }
0x13d: {  	p0 =	sne.s32 s0, $0x0;
	s0 =	rddreg [dreg:$0x1]  }
0x13e: {  	s0 =	sadd.s32 @!p0 $0x100000, s0  }
0x13f: {  	[sflag:s0] =	ssyncadd.tile.s32 @!p0 $0x1;
	_ =	shalt  }
.Lfunc_end2:
_tile_overlayer_lowered:
.L_overlay_start_2:
0x140: {  	(tag) =	ssettag $0x2  }
0x141: {  	s0 =	rddreg [dreg:$0x0];
	s2 =	stileid.u32  }
0x142: {  	s1 =	rddreg [dreg:$0x1];
	p0 =	sne.s32 s2, $0x0  }
0x143: {  	s3 =	rddreg [dreg:$0x2];
	[bflag:$0x3] =	sbarrier.arrive $0xFFFF;
	s2 =	simm.s32 @!p0 $0x1C04  }
0x144: {  	[timem:s3], [sflag:s2] =	dma.local @!p0 [hbm:s0], s1  }
0x145: {  	s0 =	simm.s32 @!p0 $0x4  }
0x146: {  	_ =	swait.ge @!p0 [sflag:s0], s1  }
0x147: {  	s1 =	ssub.s32 @!p0 $0x0, s1;
	[sflag:s0] =	ssyncset.done @!p0 $0x0  }
0x148: {  	[sflag:s0] =	ssyncadd.s32 @!p0 s1  }
0x149: {  	[bflag:$0x3] =	sbarrier.arrive $0xFFFF  }
0x14a: {  	_ =	shalt  }

// kernel: kernel.7.cloned.1.call-start
scs
__scs_entry_jumppad:
0x0: {  	(pc) =	sbr.rel $0x88, $3  }
0x1: {  	(tag) =	ssettag $0x0;
	lr =	simm.s32 $0x1  }
0x2: {  	[smem:$0x3F9C] =	sst lr;
	_ =	strace $0xD0000000  }
0x3: {  	_ = 	snop  }
0x4: {  	_ = 	snop  }
0x5: {  	_ = 	snop  }
0x6: {  	_ = 	snop  }
0x7: {  	_ = 	snop  }
__scs_overlays_trampoline_lowered:
0x8: {  	[smem:$0x3FAB] =	sst s0  }
0x9: {  	[smem:$0x3FAC] =	sst s1  }
0xa: {  	[smem:$0x3FAD] =	sst s2  }
0xb: {  	[smem:$0x3FAE] =	sst s3  }
0xc: {  	[smem:$0x3FAF] =	sst s4  }
0xd: {  	[smem:$0x3FB0] =	sst s5  }
0xe: {  	[smem:$0x3FB1] =	sst s6  }
0xf: {  	[smem:$0x3FB2] =	sst s7  }
0x10: {  	[smem:$0x3FB3] =	sst s8  }
0x11: {  	[smem:$0x3FB4] =	sst s9;
	s0 =	simm.s32 @!p0 $0x0  }
0x12: {  	s1 =	sld [smem:$0x3F9A];
	s0 =	simm.s32 @p0 $0x1  }
0x13: {  	[smem:$0x3FB5] =	sst s0;
	s0 =	simm.s32 @!p1 $0x0  }
0x14: {  	s2 =	sld [smem:$0x3F99];
	s0 =	simm.s32 @p1 $0x1  }
0x15: {  	[smem:$0x3FB6] =	sst s0;
	s0 =	simm.s32 @!p2 $0x0  }
0x16: {  	s3 =	sld [smem:$0x3FDB];
	s0 =	simm.s32 @p2 $0x1  }
0x17: {  	s4 =	simm.s32 $0x1BF5;
	[smem:$0x3FB8] =	sst s0  }
0x18: {  	s0 =	sld [smem:$0x3F9B];
	_ =	swait.ge [sflag:s4], $0x0  }
0x19: {  	s7 =	sld [smem:$0x3F9C]  }
0x1a: {  	s8 =	sadd.s32 $0xFFFFE003, lr  }
0x1b: {  	s9 =	sadd.s32 $0xFFFFFEF7, lr;
	s5 =	simm.s32 $0xFFFFFFFF;
	p2 =	slt.u32 s8, $0xFFFFF086  }
0x1c: {  	p1 =	slt.u32 s9, $0xF7A;
	s5 =	simm.s32 @!p2 $0x0  }
0x1d: {  	s5 =	simm.s32 @p1 $0x1;
	p0 =	seq.s32 s7, s2  }
0x1e: {  	s7 =	smul.u32 @!p0 $0xF7A, s2;
	p2 =	seq.s32 @!p0 s5, $0x0  }
0x1f: {  	s9 =	smul.u32 $0xF7A, s1;
	s8 =	simm.s32 @!p0 $0x1BF5;
	p2 =	por !p2, p0  }
0x20: {  	[sflag:s8] =	ssyncset.s32 @!p0 $0xFFFFF086;
	s6 =	sadd.s32 @!p0 s3, s7;
	s7 =	simm.s32 @!p0 $0x108  }
0x21: {  	s3 =	sadd.s32 s3, s9;
	s6 =	sadd.s32 @!p0 $0x88, s6;
	s7 =	simm.s32 @p2 $0x1082  }
0x22: {  	[simem:s7], [sflag:s8] =	dma.local @!p0 [hbm:s6], $0xF7A  }
0x23: {  	s9 =	sor.u32 $0xD0000000, s2;
	s6 =	simm.s32 $0x108;
	_ =	swait.ge @!p0 [sflag:s8], $0x0  }
0x24: {  	s3 =	sadd.s32 $0x88, s3;
	s6 =	simm.s32 @!p1 $0x1082;
	[sflag:s4] =	ssyncset.s32 $0xFFFFF086  }
0x25: {  	[simem:s6], [sflag:s4] =	dma.local [hbm:s3], $0xF7A  }
0x26: {  	[smem:$0x3F9C] =	sst s1;
	(tag) =	ssettag s2;
	_ =	strace s9  }
0x27: {  	s1 =	sld [smem:$0x3FAC]  }
0x28: {  	s2 =	sld [smem:$0x3FAD]  }
0x29: {  	s4 =	sld [smem:$0x3FAF]  }
0x2a: {  	p0 =	seq.s32 s5, $0x0;
	s5 =	sld [smem:$0x3FB0]  }
0x2b: {  	s6 =	sld [smem:$0x3FB1]  }
0x2c: {  	s7 =	sld [smem:$0x3FB2]  }
0x2d: {  	s3 =	simm.s32 $0x108;
	s8 =	sld [smem:$0x3FB3]  }
0x2e: {  	s3 =	simm.s32 @!p0 $0x1082;
	s9 =	sld [smem:$0x3FB4]  }
0x2f: {  	lr =	sadd.s32 s0, s3;
	s0 =	sld [smem:$0x3FAB]  }
0x30: {  	s3 =	sld [smem:$0x3FAE]  }
0x31: {  	[smem:$0x3FB7] =	sst s10  }
0x32: {  	s10 =	sld [smem:$0x3FB5];
	_ =	sdelay $0x3  }
0x33: {  	p0 =	seq.s32 s10, $0x1;
	s10 =	sld [smem:$0x3FB7];
	_ =	sdelay $0x3  }
0x34: {  	[smem:$0x3FB7] =	sst s10  }
0x35: {  	s10 =	sld [smem:$0x3FB6];
	_ =	sdelay $0x3  }
0x36: {  	p1 =	seq.s32 s10, $0x1;
	s10 =	sld [smem:$0x3FB7];
	_ =	sdelay $0x3  }
0x37: {  	[smem:$0x3FB7] =	sst s10  }
0x38: {  	s10 =	sld [smem:$0x3FB8]  }
0x39: {  	_ = 	snop;
	(pc) =	sbr.ind lr, $3  }
0x3a: {  	_ = 	snop  }
0x3b: {  	_ = 	snop  }
0x3c: {  	p2 =	seq.s32 s10, $0x1;
	s10 =	sld [smem:$0x3FB7]  }
0x3d: {  	_ =	shalt  }
0x3e: {  	_ =	shalt  }
0x3f: {  	_ =	shalt  }
0x40: {  	_ =	shalt  }
0x41: {  	_ =	shalt  }
0x42: {  	_ =	shalt  }
0x43: {  	_ =	shalt  }
0x44: {  	_ =	shalt  }
0x45: {  	_ =	shalt  }
0x46: {  	_ =	shalt  }
0x47: {  	_ =	shalt  }
0x48: {  	_ =	shalt  }
0x49: {  	_ =	shalt  }
0x4a: {  	_ =	shalt  }
0x4b: {  	_ =	shalt  }
0x4c: {  	_ =	shalt  }
0x4d: {  	_ =	shalt  }
0x4e: {  	_ =	shalt  }
0x4f: {  	_ =	shalt  }
0x50: {  	_ =	shalt  }
0x51: {  	_ =	shalt  }
0x52: {  	_ =	shalt  }
0x53: {  	_ =	shalt  }
0x54: {  	_ =	shalt  }
0x55: {  	_ =	shalt  }
0x56: {  	_ =	shalt  }
0x57: {  	_ =	shalt  }
0x58: {  	_ =	shalt  }
0x59: {  	_ =	shalt  }
0x5a: {  	_ =	shalt  }
0x5b: {  	_ =	shalt  }
0x5c: {  	_ =	shalt  }
0x5d: {  	_ =	shalt  }
0x5e: {  	_ =	shalt  }
0x5f: {  	_ =	shalt  }
0x60: {  	_ =	shalt  }
0x61: {  	_ =	shalt  }
0x62: {  	_ =	shalt  }
0x63: {  	_ =	shalt  }
0x64: {  	_ =	shalt  }
0x65: {  	_ =	shalt  }
0x66: {  	_ =	shalt  }
0x67: {  	_ =	shalt  }
0x68: {  	_ =	shalt  }
0x69: {  	_ =	shalt  }
0x6a: {  	_ =	shalt  }
0x6b: {  	_ =	shalt  }
0x6c: {  	_ =	shalt  }
0x6d: {  	_ =	shalt  }
0x6e: {  	_ =	shalt  }
0x6f: {  	_ =	shalt  }
0x70: {  	_ =	shalt  }
0x71: {  	_ =	shalt  }
0x72: {  	_ =	shalt  }
0x73: {  	_ =	shalt  }
0x74: {  	_ =	shalt  }
0x75: {  	_ =	shalt  }
0x76: {  	_ =	shalt  }
0x77: {  	_ =	shalt  }
0x78: {  	_ =	shalt  }
0x79: {  	_ =	shalt  }
0x7a: {  	_ =	shalt  }
0x7b: {  	_ =	shalt  }
0x7c: {  	_ =	shalt  }
0x7d: {  	_ =	shalt  }
0x7e: {  	_ =	shalt  }
0x7f: {  	_ =	shalt  }
0x80: {  	_ =	shalt  }
0x81: {  	_ =	shalt  }
0x82: {  	_ =	shalt  }
0x83: {  	_ =	shalt  }
0x84: {  	_ =	shalt  }
0x85: {  	_ =	shalt  }
0x86: {  	_ =	shalt  }
0x87: {  	_ =	shalt  }
.Lfunc_end0:
.L_simem_size_0:
called_computation_lowered:
.L_overlay_start_0:
0x88: {  	s2 =	sld [smem:$0x3FD9]  }
0x89: {  	s3 =	sld [smem:$0x3FFE];
	_ =	sdelay $0x1  }
0x8a: {  	s1 =	srdreg.scid  }
0x8b: {  	s0 =	sand.u32 $0x1, s1  }
0x8c: {  	s17 =	sshll.u32 s0, $0xA;
	s2 =	sadd.s32 s3, s2  }
0x8d: {  	s2 =	sadd.s32 s2, s17  }
0x8e: {  	[smem:$0x3FC3] =	sst s2  }
0x8f: {  	_ = 	snop  }
0x90: {  	s2 =	sld [smem:$0x3FD0];
	(tm) =	ssettm $0x1  }
0x91: {  	s18 =	sld [smem:$0x3FFB];
	_ =	sdelay $0x3  }
0x92: {  	_ =	strace s18  }
0x93: {  	s3 =	sld [smem:$0x3FFC];
	_ =	sdelay $0x3  }
0x94: {  	_ =	strace s3  }
0x95: {  	s3 =	sld [smem:$0x3FFD];
	_ =	sdelay $0x3  }
0x96: {  	_ =	strace s3  }
0x97: {  	_ =	strace $0x8FFFFFFF  }
0x98: {  	s19 =	sld [smem:$0x3FDB];
	_ =	sdelay $0x1  }
0x99: {  	s4 =	simm.s32 $_scs_section_size  }
0x9a: {  	s5 =	simm.s32 $_size__tile_overlayer_lowered;
	s6 =	simm.s32 $_tile_overlayer_lowered  }
0x9b: {  	s22 =	simm.s32 $0x1BFF;
	s21 =	sshll.u32 s6, $0x1;
	s3 =	sadd.s32 s4, s19  }
0x9c: {  	s7 =	simm.s32 $0x0;
	s20 =	sshll.u32 s5, $0x1;
	s5 =	sadd.s32 s21, s3  }
0x9d: {  	[timem:s7], [sflag:s22] =	dma.local [hbm:s5], s20  }
0x9e: {  	_ =	swait.ge [sflag:s22], s20  }
0x9f: {  	s4 =	ssub.s32 $0x0, s20;
	[sflag:s22] =	ssyncset.done $0x0  }
0xa0: {  	[sflag:s22] =	ssyncadd.s32 s4;
	_ =	sdelay $0x1  }
0xa1: {  	s23 =	simm.s32 $0x1B8B  }
0xa2: {  	_ =	swait.ge [sflag:s23], $0x1  }
0xa3: {  	[sflag:s23] =	ssyncset.done $0x0  }
0xa4: {  	s25 =	simm.s32 $0x1B8E;
	s24 =	sld [smem:$0x3FFE];
	[sflag:s23] =	ssyncadd.s32 $0xFFFFFFFF  }
0xa5: {  	s26 =	simm.s32 $execute0_lowered;
	[smem:$0x3FD2] =	sst s25  }
0xa6: {  	s5 =	sshll.u32 s26, $0x1;
	_ =	strace $0x80000046;
	[dreg:$0x1] =	wrdreg $0xFFFFFFFF  }
0xa7: {  	s28 =	simm.s32 $_size_execute0_lowered;
	s3 =	sadd.s32 s3, s5;
	[dreg:$0x0] =	wrdreg $0x0  }
0xa8: {  	s5 =	sshll.u32 s28, $0x1;
	[dreg:$0x2] =	wrdreg s3  }
0xa9: {  	[dreg:$0x3] =	wrdreg s5  }
0xaa: {  	[dreg:$0x4] =	wrdreg $0xC0  }
0xab: {  	_ =	task [dreg:s7], $0x5FFFF  }
0xac: {  	[dreg:$0x1] =	wrdreg $0xFFFFFFFF  }
0xad: {  	[dreg:$0x0] =	wrdreg $0x60  }
0xae: {  	[dreg:$0x2] =	wrdreg s2  }
0xaf: {  	[dreg:$0x3] =	wrdreg s24  }
0xb0: {  	[dreg:$0x4] =	wrdreg $0x9  }
0xb1: {  	_ =	task.clear_ibuf [dreg:s7], $0x5FFFF;
	_ =	strace $0x90000046  }
0xb2: {  	s29 =	simm.s32 $0x9;
	_ =	strace $0x80000048  }
0xb3: {  	_ =	swait.ge [sflag:s29], $0x1  }
0xb4: {  	[sflag:s29] =	ssyncadd.s32 $0xFFFFFFFF  }
0xb5: {  	_ =	strace $0x90000048  }
0xb6: {  	_ =	sfence  }
0xb7: {  	s30 =	sld [smem:$0x0];
	_ =	sdelay $0x2  }
0xb8: {  	s31 =	sshll.u32 s1, $0xD;
	s1 =	sshrl.u32 s1, $0x2  }
0xb9: {  	s3 =	sand.u32 $0x4000, s31;
	s1 =	sadd.s32 s1, s30  }
0xba: {  	s0 =	sor.u32 s3, s0;
	s1 =	sshll.u32 s1, $0x11  }
0xbb: {  	s0 =	sor.u32 s1, s0  }
0xbc: {  	s0 =	sadd.s32 $0x8F2B, s0  }
0xbd: {  	[sflag:s0] =	ssyncadd.remote.s32 $0x1  }
0xbe: {  	_ =	sfence.sel $0xFFFF  }
0xbf: {  	[dreg:$0x0] =	wrdreg $0xFFFFFFFF;
	(pc) =	sbr.abs _section_cstart, $3  }
0xc0: {  	[dreg:$0x1] =	wrdreg $0xFFFFFFFF  }
0xc1: {  	_ =	task.clear_ibuf [dreg:s7], $0x2FFFF;
	_ =	strace $0x9FFFFFFF  }
0xc2: {  	(tm) =	ssettm $0x7FFFFFFF  }
0xc3: {  	_ =	shalt  }
tec
execute0_lowered:
.L_overlay_start_1:
0x0: {  	(tag) =	ssettag $0x1  }
0x1: {  	s0 =	rddreg [dreg:$0x0]  }
0x2: {  	s1 =	rddreg [dreg:$0x1]  }
0x3: {  	s2 =	simm.s32 $0x0;
	s3 =	srdreg.scid;
	s9 =	stileid.u32  }
0x4: {  	s15 =	simm.s32 $0x6100;
	s16 =	simm.s32 $0x2;
	s17 =	simm.s32 $0x3  }
0x5: {  	s18 =	simm.s32 $0x6900;
	s19 =	simm.s32 $0x7100;
	s20 =	simm.s32 $0x7900  }
0x6: {  	s21 =	simm.s32 $0x8100;
	s22 =	simm.s32 $0x8900;
	s23 =	simm.s32 $0x9100  }
0x7: {  	s28 =	simm.s32 $0xB100;
	s29 =	simm.s32 $0xB900;
	s30 =	simm.s32 $0xC100  }
0x8: {  	s31 =	simm.s32 $0xC900;
	s13 =	simm.s32 $0x4000;
	s14 =	simm.s32 $0x0  }
0x9: {  	[smem:$0x7FF] =	sst s2;
	s3 =	sand.u32 $0x1, s3;
	s4 =	sshll.u32 s9, $0x7  }
0xa: {  	s10 =	sadd.s32 $0x1000, s1;
	s6 =	sadd.s32 $0x1200, s1;
	s8 =	sadd.s32 $0x81800, s1  }
0xb: {  	s11 =	sadd.s32 $0x1400, s1;
	_ =	strace $0x80000047;
	[dreg:$0x3] =	wrdreg s6  }
0xc: {  	p0 =	seq.s32 s9, $0x0;
	s5 =	sshll.u32 s3, $0x6;
	[dreg:$0x4] =	wrdreg s8  }
0xd: {  	s24 =	ssub.s32 $0x2, s3;
	[dreg:$0x6] =	wrdreg s11;
	p1 =	seq.s32 s3, $0x1  }
0xe: {  	s11 =	sadd.s32 $0x1900, s1;
	s26 =	sor.u32 s9, s3;
	s8 =	simm.s32 $0x2000  }
0xf: {  	s4 =	sor.u32 s5, s4;
	s5 =	sadd.s32 $0x1800, s1;
	s25 =	sshrl.u32 s24, $0x1  }
0x10: {  	p0 =	por !p0, !p1;
	p1 =	sne.s32 s26, $0x0;
	s26 =	simm.s32 $0xA900  }
0x11: {  	s1 =	simm.s32 $0xD900;
	s7 =	sshrl.u32 s4, $0x3;
	s6 =	ssub.s32 s24, s25  }
.Ltmp0:
0x12: {  	s4 =	sshll.u32 s4, $0x6;
	p0 =	por !p0, !p0;
	(pc) =	sbr.rel .LBB2_1-.Ltmp0, $4  }
0x13: {  	s24 =	simm.s32 $0x9900;
	s25 =	simm.s32 $0xA100;
	s7 =	sadd.s32 s10, s7  }
0x14: {  	v0 =	vlaneseq.u32;
	s0 =	sadd.s32 s0, s4;
	s12 =	smax.u32 s6, $0x1;
	[dreg:$0x5] =	wrdreg s7  }
0x15: {  	vm0 =	vmmov $0xffff;
	v4 =	vimm.f32 $0.0e+00;
	v2 =	vshrl.u32 v0, $0x3;
	s6 =	simm.s32 $0x4;
	s7 =	sadd.s32 $0x100, s7;
	[dreg:$0x8] =	wrdreg s0  }
0x16: {  	v1 =	vand.u32 $0x7, v0;
	v3 =	vor.u32 $0x8, v0;
	v2 =	vmul.u32 $0x8, v2;
	s4 =	simm.s32 $0x1;
	s0 =	simm.s32 $0xD100;
	[dreg:$0x7] =	wrdreg s7  }
.LBB2_12:
0x17: {  	v5 =	vld [tilespmem:s9+$0x0];
	_ =	sdelay $0x2  }
0x18: {  	v6 =	vld [tilespmem:s9+$0x1000];
	_ =	sdelay $0x4  }
0x19: {  	s3 =	rddreg [dreg:$0x6];
	[tilespmem:v5+s13+$0x0] =	vst.idx.msk $0xffff, v6  }
0x1a: {  	[hbm4b:s3+s2] =	stream.linear.scatter [tilespmem:s13], [sflag:$0x1], $0x2000, $0x38;
	[tilespmem:$0xE100] =	vst v63  }
0x1b: {  	_ =	swait.ge [sflag:s4], $0x2000  }
0x1c: {  	[sflag:s4] =	ssyncset.done $0x0  }
0x1d: {  	[sflag:s4] =	ssyncadd.s32 $0xFFFFE000  }
.LBB2_13:
0x1e: {  	s14 =	sadd.s32 $0x1, s14  }
0x1f: {  	p2 =	sne.s32 s14, s12  }
.Ltmp1:
0x20: {  	_ = 	snop;
	(pc) =	sbr.rel @!p2 .LBB2_14-.Ltmp1, $1  }
0x21: {  	_ =	sdelay $0x3  }
.LBB2_1:
0x22: {  	s3 =	rddreg [dreg:$0x5];
	s7 =	simm.s32 $0x6000  }
0x23: {  	[tilespmem:s7], [sflag:$0x2] =	stream.linear.gather [hbm4b:s3+s2], $0x40, $0x38;
	[tilespmem:$0xE100] =	vst v63  }
0x24: {  	s9 =	simm.s32 $0x6080;
	s7 =	rddreg [dreg:$0x7]  }
0x25: {  	[tilespmem:s9], [sflag:$0x2] =	stream.linear.gather [hbm4b:s7+s2], $0x40, $0x38;
	[tilespmem:$0xE100] =	vst v63  }
0x26: {  	s9 =	rddreg [dreg:$0x8]  }
0x27: {  	[tilespmem:s15], [sflag:$0x3] =	stream.linear.gather [hbm4b:s9+s2], $0x8000, $0x38;
	[tilespmem:$0xE100] =	vst v63  }
0x28: {  	_ =	swait.ge [sflag:s16], $0x40  }
0x29: {  	[sflag:s16] =	ssyncset.done $0x0  }
0x2a: {  	[sflag:s16] =	ssyncadd.s32 $0xFFFFFFC0  }
0x2b: {  	_ =	swait.ge [sflag:s16], $0x40  }
0x2c: {  	[sflag:s16] =	ssyncset.done $0x0  }
0x2d: {  	[sflag:s16] =	ssyncadd.s32 $0xFFFFFFC0  }
0x2e: {  	_ =	swait.ge [sflag:s17], $0x8000  }
0x2f: {  	[sflag:s17] =	ssyncset.done $0x0  }
0x30: {  	[sflag:s17] =	ssyncadd.s32 $0xFFFF8000  }
0x31: {  	v5 =	vld [tilespmem:$0x6000];
	_ =	sdelay $0x4  }
0x32: {  	v6 =	vshll.u32 v5, $0x2  }
0x33: {  	v5 =	vand.u32 $0x7, v5;
	v6 =	vand.u32 $0xFFFFFFE0, v6  }
0x34: {  	v5 =	vor.u32 v5, v6  }
0x35: {  	v6 =	vperm.xlane v5, v1;
	_ =	sdelay $0x1  }
0x36: {  	v6 =	vadd.s32 v2, v6;
	_ =	sdelay $0x1  }
0x37: {  	v5 =	vperm.xlane v5, v3;
	_ =	sdelay $0x1  }
0x38: {  	v5 =	vadd.s32 v2, v5  }
0x39: {  	[hbm4b:s5+s2] =	stream.indirect_vreg.scatter [tilespmem:s15], [sflag:$0x4], $0x80, v6, vm0, $0xb8;
	[tilespmem:$0xE100] =	vst v63  }
0x3a: {  	_ = 	snop  }
0x3b: {  	[hbm4b:s11+s2] =	stream.indirect_vreg.scatter [tilespmem:s18], [sflag:$0x4], $0x80, v6, vm0, $0xb8;
	[tilespmem:$0xE100] =	vst v63  }
0x3c: {  	_ = 	snop  }
0x3d: {  	[hbm4b:s5+s2] =	stream.indirect_vreg.scatter [tilespmem:s19], [sflag:$0x4], $0x80, v5, vm0, $0xb8;
	[tilespmem:$0xE100] =	vst v63  }
0x3e: {  	_ = 	snop  }
0x3f: {  	[hbm4b:s11+s2] =	stream.indirect_vreg.scatter [tilespmem:s20], [sflag:$0x4], $0x80, v5, vm0, $0xb8;
	[tilespmem:$0xE100] =	vst v63  }
0x40: {  	v5 =	vld [tilespmem:$0x6010];
	_ =	sdelay $0x4  }
0x41: {  	v6 =	vshll.u32 v5, $0x2  }
0x42: {  	v5 =	vand.u32 $0x7, v5;
	v6 =	vand.u32 $0xFFFFFFE0, v6  }
0x43: {  	v5 =	vor.u32 v5, v6  }
0x44: {  	v6 =	vperm.xlane v5, v1;
	_ =	sdelay $0x1  }
0x45: {  	v6 =	vadd.s32 v2, v6;
	_ =	sdelay $0x1  }
0x46: {  	v5 =	vperm.xlane v5, v3;
	_ =	sdelay $0x1  }
0x47: {  	v5 =	vadd.s32 v2, v5  }
0x48: {  	[hbm4b:s5+s2] =	stream.indirect_vreg.scatter [tilespmem:s21], [sflag:$0x4], $0x80, v6, vm0, $0xb8;
	[tilespmem:$0xE100] =	vst v63  }
0x49: {  	_ = 	snop  }
0x4a: {  	[hbm4b:s11+s2] =	stream.indirect_vreg.scatter [tilespmem:s22], [sflag:$0x4], $0x80, v6, vm0, $0xb8;
	[tilespmem:$0xE100] =	vst v63  }
0x4b: {  	_ = 	snop  }
0x4c: {  	[hbm4b:s5+s2] =	stream.indirect_vreg.scatter [tilespmem:s23], [sflag:$0x4], $0x80, v5, vm0, $0xb8;
	[tilespmem:$0xE100] =	vst v63  }
0x4d: {  	_ = 	snop  }
0x4e: {  	[hbm4b:s11+s2] =	stream.indirect_vreg.scatter [tilespmem:s24], [sflag:$0x4], $0x80, v5, vm0, $0xb8;
	[tilespmem:$0xE100] =	vst v63  }
0x4f: {  	v5 =	vld [tilespmem:$0x6020];
	_ =	sdelay $0x4  }
0x50: {  	v6 =	vshll.u32 v5, $0x2  }
0x51: {  	v5 =	vand.u32 $0x7, v5;
	v6 =	vand.u32 $0xFFFFFFE0, v6  }
0x52: {  	v5 =	vor.u32 v5, v6  }
0x53: {  	v6 =	vperm.xlane v5, v1;
	_ =	sdelay $0x1  }
0x54: {  	v6 =	vadd.s32 v2, v6;
	_ =	sdelay $0x1  }
0x55: {  	v5 =	vperm.xlane v5, v3;
	_ =	sdelay $0x1  }
0x56: {  	v5 =	vadd.s32 v2, v5  }
0x57: {  	[hbm4b:s5+s2] =	stream.indirect_vreg.scatter [tilespmem:s25], [sflag:$0x4], $0x80, v6, vm0, $0xb8;
	[tilespmem:$0xE100] =	vst v63  }
0x58: {  	_ = 	snop  }
0x59: {  	[hbm4b:s11+s2] =	stream.indirect_vreg.scatter [tilespmem:s26], [sflag:$0x4], $0x80, v6, vm0, $0xb8;
	[tilespmem:$0xE100] =	vst v63  }
0x5a: {  	_ = 	snop  }
0x5b: {  	[hbm4b:s5+s2] =	stream.indirect_vreg.scatter [tilespmem:s28], [sflag:$0x4], $0x80, v5, vm0, $0xb8;
	[tilespmem:$0xE100] =	vst v63  }
0x5c: {  	_ = 	snop  }
0x5d: {  	[hbm4b:s11+s2] =	stream.indirect_vreg.scatter [tilespmem:s29], [sflag:$0x4], $0x80, v5, vm0, $0xb8;
	[tilespmem:$0xE100] =	vst v63  }
0x5e: {  	v5 =	vld [tilespmem:$0x6030];
	_ =	sdelay $0x4  }
0x5f: {  	v6 =	vshll.u32 v5, $0x2  }
0x60: {  	v5 =	vand.u32 $0x7, v5;
	v6 =	vand.u32 $0xFFFFFFE0, v6  }
0x61: {  	v5 =	vor.u32 v5, v6  }
0x62: {  	v6 =	vperm.xlane v5, v1;
	_ =	sdelay $0x1  }
0x63: {  	v6 =	vadd.s32 v2, v6;
	_ =	sdelay $0x1  }
0x64: {  	v5 =	vperm.xlane v5, v3;
	_ =	sdelay $0x1  }
0x65: {  	v5 =	vadd.s32 v2, v5  }
0x66: {  	[hbm4b:s5+s2] =	stream.indirect_vreg.scatter [tilespmem:s30], [sflag:$0x4], $0x80, v6, vm0, $0xb8;
	[tilespmem:$0xE100] =	vst v63  }
0x67: {  	_ = 	snop  }
0x68: {  	[hbm4b:s11+s2] =	stream.indirect_vreg.scatter [tilespmem:s31], [sflag:$0x4], $0x80, v6, vm0, $0xb8;
	[tilespmem:$0xE100] =	vst v63  }
0x69: {  	_ = 	snop  }
0x6a: {  	[hbm4b:s5+s2] =	stream.indirect_vreg.scatter [tilespmem:s0], [sflag:$0x4], $0x80, v5, vm0, $0xb8;
	[tilespmem:$0xE100] =	vst v63  }
0x6b: {  	_ = 	snop  }
0x6c: {  	[hbm4b:s11+s2] =	stream.indirect_vreg.scatter [tilespmem:s1], [sflag:$0x4], $0x80, v5, vm0, $0xb8;
	[tilespmem:$0xE100] =	vst v63  }
0x6d: {  	_ =	swait.ge [sflag:s6], $0x8000  }
0x6e: {  	[sflag:s6] =	ssyncset.done $0x0  }
0x6f: {  	[sflag:s6] =	ssyncadd.s32 $0xFFFF8000  }
0x70: {  	v5 =	vld [tilespmem:$0x6080];
	_ =	sdelay $0x4  }
0x71: {  	v6 =	vshll.u32 v5, $0x2  }
0x72: {  	v5 =	vand.u32 $0x7, v5;
	v6 =	vand.u32 $0xFFFFFFE0, v6  }
0x73: {  	v5 =	vor.u32 v5, v6  }
0x74: {  	v6 =	vperm.xlane v5, v1;
	_ =	sdelay $0x1  }
0x75: {  	v6 =	vadd.s32 v2, v6;
	_ =	sdelay $0x1  }
0x76: {  	v5 =	vperm.xlane v5, v3;
	_ =	sdelay $0x1  }
0x77: {  	v5 =	vadd.s32 v2, v5  }
0x78: {  	[hbm4b:s5+s2] =	stream.indirect_vreg.scatter [tilespmem:s15], [sflag:$0x4], $0x80, v6, vm0, $0xb8;
	[tilespmem:$0xE100] =	vst v63  }
0x79: {  	_ = 	snop  }
0x7a: {  	[hbm4b:s11+s2] =	stream.indirect_vreg.scatter [tilespmem:s18], [sflag:$0x4], $0x80, v6, vm0, $0xb8;
	[tilespmem:$0xE100] =	vst v63  }
0x7b: {  	_ = 	snop  }
0x7c: {  	[hbm4b:s5+s2] =	stream.indirect_vreg.scatter [tilespmem:s19], [sflag:$0x4], $0x80, v5, vm0, $0xb8;
	[tilespmem:$0xE100] =	vst v63  }
0x7d: {  	_ = 	snop  }
0x7e: {  	[hbm4b:s11+s2] =	stream.indirect_vreg.scatter [tilespmem:s20], [sflag:$0x4], $0x80, v5, vm0, $0xb8;
	[tilespmem:$0xE100] =	vst v63  }
0x7f: {  	v5 =	vld [tilespmem:$0x6090];
	_ =	sdelay $0x4  }
0x80: {  	v6 =	vshll.u32 v5, $0x2  }
0x81: {  	v5 =	vand.u32 $0x7, v5;
	v6 =	vand.u32 $0xFFFFFFE0, v6  }
0x82: {  	v5 =	vor.u32 v5, v6  }
0x83: {  	v6 =	vperm.xlane v5, v1;
	_ =	sdelay $0x1  }
0x84: {  	v6 =	vadd.s32 v2, v6;
	_ =	sdelay $0x1  }
0x85: {  	v5 =	vperm.xlane v5, v3;
	_ =	sdelay $0x1  }
0x86: {  	v5 =	vadd.s32 v2, v5  }
0x87: {  	[hbm4b:s5+s2] =	stream.indirect_vreg.scatter [tilespmem:s21], [sflag:$0x4], $0x80, v6, vm0, $0xb8;
	[tilespmem:$0xE100] =	vst v63  }
0x88: {  	_ = 	snop  }
0x89: {  	[hbm4b:s11+s2] =	stream.indirect_vreg.scatter [tilespmem:s22], [sflag:$0x4], $0x80, v6, vm0, $0xb8;
	[tilespmem:$0xE100] =	vst v63  }
0x8a: {  	_ = 	snop  }
0x8b: {  	[hbm4b:s5+s2] =	stream.indirect_vreg.scatter [tilespmem:s23], [sflag:$0x4], $0x80, v5, vm0, $0xb8;
	[tilespmem:$0xE100] =	vst v63  }
0x8c: {  	_ = 	snop  }
0x8d: {  	[hbm4b:s11+s2] =	stream.indirect_vreg.scatter [tilespmem:s24], [sflag:$0x4], $0x80, v5, vm0, $0xb8;
	[tilespmem:$0xE100] =	vst v63  }
0x8e: {  	v5 =	vld [tilespmem:$0x60A0];
	_ =	sdelay $0x4  }
0x8f: {  	v6 =	vshll.u32 v5, $0x2  }
0x90: {  	v5 =	vand.u32 $0x7, v5;
	v6 =	vand.u32 $0xFFFFFFE0, v6  }
0x91: {  	v5 =	vor.u32 v5, v6  }
0x92: {  	v6 =	vperm.xlane v5, v1;
	_ =	sdelay $0x1  }
0x93: {  	v6 =	vadd.s32 v2, v6;
	_ =	sdelay $0x1  }
0x94: {  	v5 =	vperm.xlane v5, v3;
	_ =	sdelay $0x1  }
0x95: {  	v5 =	vadd.s32 v2, v5  }
0x96: {  	[hbm4b:s5+s2] =	stream.indirect_vreg.scatter [tilespmem:s25], [sflag:$0x4], $0x80, v6, vm0, $0xb8;
	[tilespmem:$0xE100] =	vst v63  }
0x97: {  	_ = 	snop  }
0x98: {  	[hbm4b:s11+s2] =	stream.indirect_vreg.scatter [tilespmem:s26], [sflag:$0x4], $0x80, v6, vm0, $0xb8;
	[tilespmem:$0xE100] =	vst v63  }
0x99: {  	_ = 	snop  }
0x9a: {  	[hbm4b:s5+s2] =	stream.indirect_vreg.scatter [tilespmem:s28], [sflag:$0x4], $0x80, v5, vm0, $0xb8;
	[tilespmem:$0xE100] =	vst v63  }
0x9b: {  	_ = 	snop  }
0x9c: {  	[hbm4b:s11+s2] =	stream.indirect_vreg.scatter [tilespmem:s29], [sflag:$0x4], $0x80, v5, vm0, $0xb8;
	[tilespmem:$0xE100] =	vst v63  }
0x9d: {  	v5 =	vld [tilespmem:$0x60B0];
	_ =	sdelay $0x4  }
0x9e: {  	v6 =	vshll.u32 v5, $0x2  }
0x9f: {  	v5 =	vand.u32 $0x7, v5;
	v6 =	vand.u32 $0xFFFFFFE0, v6  }
0xa0: {  	v5 =	vor.u32 v5, v6  }
0xa1: {  	v6 =	vperm.xlane v5, v1;
	_ =	sdelay $0x1  }
0xa2: {  	v6 =	vadd.s32 v2, v6;
	_ =	sdelay $0x1  }
0xa3: {  	v5 =	vperm.xlane v5, v3;
	_ =	sdelay $0x1  }
0xa4: {  	v5 =	vadd.s32 v2, v5  }
0xa5: {  	[hbm4b:s5+s2] =	stream.indirect_vreg.scatter [tilespmem:s30], [sflag:$0x4], $0x80, v6, vm0, $0xb8;
	[tilespmem:$0xE100] =	vst v63  }
0xa6: {  	_ = 	snop  }
0xa7: {  	[hbm4b:s11+s2] =	stream.indirect_vreg.scatter [tilespmem:s31], [sflag:$0x4], $0x80, v6, vm0, $0xb8;
	[tilespmem:$0xE100] =	vst v63  }
0xa8: {  	_ = 	snop  }
0xa9: {  	[hbm4b:s5+s2] =	stream.indirect_vreg.scatter [tilespmem:s0], [sflag:$0x4], $0x80, v5, vm0, $0xb8;
	[tilespmem:$0xE100] =	vst v63  }
.Ltmp2:
0xaa: {  	_ = 	snop;
	(pc) =	sbr.rel @p1 .LBB2_7-.Ltmp2, $4  }
0xab: {  	[hbm4b:s11+s2] =	stream.indirect_vreg.scatter [tilespmem:s1], [sflag:$0x4], $0x80, v5, vm0, $0xb8;
	[tilespmem:$0xE100] =	vst v63  }
0xac: {  	_ =	swait.ge [sflag:s6], $0x8000  }
0xad: {  	[sflag:s6] =	ssyncset.done $0x0  }
0xae: {  	[sflag:s6] =	ssyncadd.s32 $0xFFFF8000  }
0xaf: {  	s3 =	simm.s32 $0x0  }
0xb0: {  	[tilespmem:s3], [sflag:$0x1] =	stream.linear.gather [hbm4b:s10+s3], $0x1000, $0x38;
	[tilespmem:$0xE100] =	vst v63  }
0xb1: {  	v5 =	vor.u32 s3, v0;
	_ =	swait.ge [sflag:s4], $0x1000  }
0xb2: {  	v5 =	vand.u32 $0x7FF, v5;
	[sflag:s4] =	ssyncset.done $0x0  }
0xb3: {  	s9 =	simm.s32 $0x2000;
	v5 =	vor.u32 $0x1000, v5;
	[sflag:s4] =	ssyncadd.s32 $0xFFFFF000  }
0xb4: {  	s7 =	smov.u32 s10;
	s10 =	simm.s32 $0x10;
	[tilespmem:s9+$0x0] =	vst v5  }
.LBB2_3:
0xb5: {  	p2 =	sne.s32 s10, $0x1FF0  }
.Ltmp3:
0xb6: {  	_ = 	snop;
	(pc) =	sbr.rel @p2 .LBB2_3-.Ltmp3, $4  }
0xb7: {  	v5 =	vor.u32 s10, v0  }
0xb8: {  	v5 =	vand.u32 $0x7FF, v5  }
0xb9: {  	s9 =	sadd.s32 $0x10, s9;
	v5 =	vor.u32 $0x1000, v5  }
0xba: {  	s10 =	sadd.s32 $0x10, s10;
	[tilespmem:s9+$0x0] =	vst v5  }
0xbb: {  	v5 =	vld [tilespmem:s3+$0x0];
	s9 =	simm.s32 $0x10;
	s10 =	simm.s32 $0x0  }
.LBB2_5:
0xbc: {  	p2 =	sne.s32 s9, $0xFF0;
	_ =	sdelay $0x3  }
.Ltmp4:
0xbd: {  	(pc) =	sbr.rel @p2 .LBB2_5-.Ltmp4, $4  }
0xbe: {  	_ = 	snop  }
0xbf: {  	v6 =	vor.u32 s3, v0;
	s3 =	smov.u32 s9  }
0xc0: {  	s10 =	sadd.s32 $0x10, s10;
	[tilespmem:v5+s8+$0x0] =	vst.idx.msk $0xffff, v6  }
0xc1: {  	s9 =	sadd.s32 $0x10, s9;
	v5 =	vld [tilespmem:s10+$0x0]  }
0xc2: {  	_ =	sdelay $0x6  }
0xc3: {  	v6 =	vor.u32 s3, v0  }
0xc4: {  	s10 =	rddreg [dreg:$0x4];
	[tilespmem:v5+s8+$0x0] =	vst.idx.msk $0xffff, v6  }
0xc5: {  	[hbm4b:s10+s2] =	stream.linear.scatter [tilespmem:s8], [sflag:$0x1], $0x2000, $0x38;
	[tilespmem:$0xE100] =	vst v63  }
0xc6: {  	_ =	swait.ge [sflag:s4], $0x2000  }
0xc7: {  	[sflag:s4] =	ssyncset.done $0x0  }
0xc8: {  	s10 =	smov.u32 s7;
	[sflag:s4] =	ssyncadd.s32 $0xFFFFE000  }
.LBB2_7:
.Ltmp5:
0xc9: {  	(pc) =	sbr.rel @!p0 .LBB2_13-.Ltmp5, $1  }
0xca: {  	_ =	sdelay $0x3  }
0xcb: {  	s3 =	simm.s32 $0x0  }
0xcc: {  	[tilespmem:s3], [sflag:$0x1] =	stream.linear.gather [hbm4b:s10+s3], $0x1000, $0x38;
	[tilespmem:$0xE100] =	vst v63  }
0xcd: {  	_ =	swait.ge [sflag:s4], $0x1000  }
0xce: {  	[sflag:s4] =	ssyncset.done $0x0  }
0xcf: {  	s9 =	simm.s32 $0x1000;
	s7 =	rddreg [dreg:$0x3];
	[sflag:s4] =	ssyncadd.s32 $0xFFFFF000  }
0xd0: {  	[tilespmem:s9], [sflag:$0x1] =	stream.linear.gather [hbm4b:s7+s3], $0x1000, $0x38;
	[tilespmem:$0xE100] =	vst v63  }
0xd1: {  	_ =	swait.ge [sflag:s4], $0x1000  }
0xd2: {  	[sflag:s4] =	ssyncset.done $0x0  }
0xd3: {  	s3 =	simm.s32 $0x40;
	s9 =	simm.s32 $0x0;
	[sflag:s4] =	ssyncadd.s32 $0xFFFFF000  }
.LBB2_9:
0xd4: {  	p2 =	sne.s32 s3, $0x7FC0;
	[tilespmem:s9+$0x4000] =	vst v4;
	s9 =	smov.u32 s3;
	s3 =	sadd.s32 $0x40, s3  }
.Ltmp6:
0xd5: {  	(pc) =	sbr.rel @p2 .LBB2_9-.Ltmp6, $2  }
0xd6: {  	_ =	sdelay $0x2  }
0xd7: {  	s9 =	sshra.s32 s9, $0x2  }
0xd8: {  	[tilespmem:s9+$0x4000] =	vst v4;
	s9 =	simm.s32 $0x0;
	s3 =	simm.s32 $0x40  }
.LBB2_11:
0xd9: {  	p2 =	sne.s32 s3, $0x3FC0;
	v5 =	vld [tilespmem:s9+$0x0];
	_ =	sdelay $0x2  }
0xda: {  	v6 =	vld [tilespmem:s9+$0x1000]  }
.Ltmp7:
0xdb: {  	(pc) =	sbr.rel @p2 .LBB2_11-.Ltmp7, $2  }
0xdc: {  	_ =	sdelay $0x2  }
0xdd: {  	s9 =	sshra.s32 s3, $0x2;
	s3 =	sadd.s32 $0x40, s3;
	[tilespmem:v5+s13+$0x0] =	vst.idx.msk $0xffff, v6  }
.Ltmp8:
0xde: {  	_ = 	snop;
	(pc) =	sbr.rel .LBB2_12-.Ltmp8, $1  }
0xdf: {  	_ =	sdelay $0x3  }
.LBB2_14:
0xe0: {  	_ =	sfence.sel $0x180000  }
0xe1: {  	[bflag:$0x0] =	sbarrier.arrive $0xFFFF  }
0xe2: {  	_ =	strace $0x90000047  }
0xe3: {  	s0 =	stileid.u32;
	[bflag:$0x2] =	sbarrier.arrive $0xFFFF  }
0xe4: {  	p0 =	sne.s32 s0, $0x0;
	s0 =	rddreg [dreg:$0x2]  }
0xe5: {  	s0 =	sadd.s32 @!p0 $0x100000, s0  }
0xe6: {  	[sflag:s0] =	ssyncadd.tile.s32 @!p0 $0x1;
	_ =	shalt  }
.Lfunc_end2:
_tile_overlayer_lowered:
.L_overlay_start_2:
0xe7: {  	(tag) =	ssettag $0x2  }
0xe8: {  	s0 =	rddreg [dreg:$0x0];
	s2 =	stileid.u32  }
0xe9: {  	s1 =	rddreg [dreg:$0x1];
	p0 =	sne.s32 s2, $0x0  }
0xea: {  	s3 =	rddreg [dreg:$0x2];
	[bflag:$0x3] =	sbarrier.arrive $0xFFFF;
	s2 =	simm.s32 @!p0 $0x1C04  }
0xeb: {  	[timem:s3], [sflag:s2] =	dma.local @!p0 [hbm:s0], s1  }
0xec: {  	s0 =	simm.s32 @!p0 $0x4  }
0xed: {  	_ =	swait.ge @!p0 [sflag:s0], s1  }
0xee: {  	s1 =	ssub.s32 @!p0 $0x0, s1;
	[sflag:s0] =	ssyncset.done @!p0 $0x0  }
0xef: {  	[sflag:s0] =	ssyncadd.s32 @!p0 s1  }
0xf0: {  	[bflag:$0x3] =	sbarrier.arrive $0xFFFF  }
0xf1: {  	_ =	shalt  }

</sc_bundles>
